<compile_context>
chip_gen: v7x
topology: tpu7x:2x2x1
jax: 0.10.2.dev20260603
libtpu: 0.0.44.dev20260713+nightly
codegen_flags: <defaults>
</compile_context>

<pallas_src>
import functools

import jax
import jax.numpy as jnp
from jax import lax
from jax.experimental import pallas as pl
from jax.experimental.pallas import tpu as pltpu
from jax.experimental.pallas import tpu_sc as plsc

N_NODES = 10000
N_EDGES = 320000
D_IN = 128
D_HID = 128
D_OUT = 40
D_OUTP = 128

NC = 2
NS = 16
NW = NC * NS
CHUNK = 128
K_CHUNKS = 79
EDGES_PER_WORKER = K_CHUNKS * CHUNK
E_PAD = NW * EDGES_PER_WORKER
K_ROWS = K_CHUNKS
ACC_ROWS = 10240
ROWS_PER_TILE = ACC_ROWS // NS

_mesh = plsc.VectorSubcoreMesh(core_axis_name="c", subcore_axis_name="s")


def _fill_buf(buf, rows, width, value):
    def row_body(i, _):
        def col_body(k, __):
            buf[i, pl.ds(k * 16, 16)] = jnp.full((16,), value, jnp.float32)
            return 0
        return lax.fori_loop(0, width // 16, col_body, 0)
    lax.fori_loop(0, rows, row_body, 0)


def _zero_buf(buf, rows, width):
    _fill_buf(buf, rows, width, 0.0)


DEG_W = 128


def _make_deg_kernel():
    DW = DEG_W

    @functools.partial(
        pl.kernel,
        mesh=_mesh,
        out_type=jax.ShapeDtypeStruct((NC * ACC_ROWS, DW), jnp.float32),
        scratch_types=[
            pltpu.VMEM((K_ROWS, CHUNK), jnp.int32),
            pltpu.VMEM((CHUNK, DW), jnp.float32),
            pltpu.VMEM((CHUNK, DW), jnp.float32),
            pltpu.VMEM_SHARED((ACC_ROWS, DW), jnp.float32),
            pltpu.SemaphoreType.DMA,
        ],
    )
    def deg_kernel(dst_hbm, out_hbm, dst_v, ones_v, zbuf_v, acc_sh, sem):
        c = lax.axis_index("c")
        s = lax.axis_index("s")
        wid = s * NC + c

        _zero_buf(zbuf_v, CHUNK, DW)
        _fill_buf(ones_v, CHUNK, DW, 1.0)

        for r in range(ROWS_PER_TILE // CHUNK):
            pltpu.sync_copy(zbuf_v,
                            acc_sh.at[pl.ds(s * ROWS_PER_TILE + r * CHUNK, CHUNK)])
        plsc.subcore_barrier()

        pltpu.sync_copy(dst_hbm.at[wid], dst_v)

        def body(j, _):
            pltpu.sync_copy(ones_v, acc_sh.at[dst_v.at[j]], add=True)
            return 0
        lax.fori_loop(0, K_CHUNKS, body, 0)
        plsc.subcore_barrier()

        off = c * ACC_ROWS + s * ROWS_PER_TILE
        pltpu.sync_copy(acc_sh.at[pl.ds(s * ROWS_PER_TILE, ROWS_PER_TILE)],
                        out_hbm.at[pl.ds(off, ROWS_PER_TILE)])

    return deg_kernel


def _make_agg_kernel(D):
    @functools.partial(
        pl.kernel,
        mesh=_mesh,
        out_type=jax.ShapeDtypeStruct((NC * ACC_ROWS, D), jnp.float32),
        scratch_types=[
            pltpu.VMEM((K_ROWS, CHUNK), jnp.int32),
            pltpu.VMEM((K_ROWS, CHUNK), jnp.int32),
            pltpu.VMEM((CHUNK, D), jnp.float32),
            pltpu.VMEM_SHARED((ACC_ROWS, D), jnp.float32),
            pltpu.SemaphoreType.DMA,
        ],
    )
    def agg_kernel(table_hbm, src_hbm, dst_hbm, out_hbm,
                   src_v, dst_v, buf_v, acc_sh, gsem):
        c = lax.axis_index("c")
        s = lax.axis_index("s")
        wid = s * NC + c

        _zero_buf(buf_v, CHUNK, D)
        for r in range(ROWS_PER_TILE // CHUNK):
            pltpu.sync_copy(buf_v,
                            acc_sh.at[pl.ds(s * ROWS_PER_TILE + r * CHUNK, CHUNK)])
        plsc.subcore_barrier()

        pltpu.sync_copy(src_hbm.at[wid], src_v)
        pltpu.sync_copy(dst_hbm.at[wid], dst_v)

        def body(j, _):
            pltpu.async_copy(table_hbm.at[src_v.at[j]], buf_v, gsem).wait()
            pltpu.sync_copy(buf_v, acc_sh.at[dst_v.at[j]], add=True)
            return 0
        lax.fori_loop(0, K_CHUNKS, body, 0)
        plsc.subcore_barrier()

        off = c * ACC_ROWS + s * ROWS_PER_TILE
        pltpu.sync_copy(acc_sh.at[pl.ds(s * ROWS_PER_TILE, ROWS_PER_TILE)],
                        out_hbm.at[pl.ds(off, ROWS_PER_TILE)])

    return agg_kernel


_deg_kernel = _make_deg_kernel()
_agg128 = _make_agg_kernel(D_HID)


_BN = 1000
_GRID = N_NODES // _BN


def _dinv_block(p0, p1):
    deg = p0[:, 0:1] + p1[:, 0:1] + 1.0
    return lax.rsqrt(deg)


def _tc_a_body(x_ref, w1_ref, p0_ref, p1_ref, xs1_ref):
    dinv = _dinv_block(p0_ref[...], p1_ref[...])
    h = jnp.dot(x_ref[...], w1_ref[...], preferred_element_type=jnp.float32)
    xs1_ref[...] = h * dinv


def _tc_b_body(a0_ref, a1_ref, xs1_ref, p0_ref, p1_ref, b1_ref, w2_ref, xs2_ref):
    dinv = _dinv_block(p0_ref[...], p1_ref[...])
    z = dinv * (a0_ref[...] + a1_ref[...] + xs1_ref[...]) + b1_ref[...]
    r = jnp.maximum(z, 0.0)
    g = jnp.dot(r, w2_ref[...], preferred_element_type=jnp.float32)
    xs2_ref[...] = g * dinv


def _tc_c_body(c0_ref, c1_ref, xs2_ref, p0_ref, p1_ref, b2_ref, out_ref):
    dinv = _dinv_block(p0_ref[...], p1_ref[...])
    o = dinv * (c0_ref[...] + c1_ref[...] + xs2_ref[...]) + b2_ref[...]
    mask = lax.broadcasted_iota(jnp.int32, (1, D_OUTP), 1) < D_OUT
    om = jnp.where(mask, o, jnp.float32(-1e30))
    m = jnp.max(om, axis=1, keepdims=True)
    e = jnp.where(mask, jnp.exp(o - m), 0.0)
    ssum = jnp.sum(e, axis=1, keepdims=True)
    out_ref[...] = o - m - jnp.log(ssum)


def _row_spec(width):
    return pl.BlockSpec((_BN, width), lambda i: (i, 0))


def _full_spec(shape):
    return pl.BlockSpec(shape, lambda i: (0, 0))


def _tc_a(x, W1, p0, p1):
    return pl.pallas_call(
        _tc_a_body,
        grid=(_GRID,),
        in_specs=[_row_spec(D_IN), _full_spec((D_IN, D_HID)),
                  _row_spec(16), _row_spec(16)],
        out_specs=_row_spec(D_HID),
        out_shape=jax.ShapeDtypeStruct((N_NODES, D_HID), jnp.float32),
    )(x, W1, p0, p1)


def _tc_b(a0, a1, xs1, p0, p1, b1r, W2p):
    return pl.pallas_call(
        _tc_b_body,
        grid=(_GRID,),
        in_specs=[_row_spec(D_HID), _row_spec(D_HID), _row_spec(D_HID),
                  _row_spec(16), _row_spec(16),
                  _full_spec((1, D_HID)), _full_spec((D_HID, D_OUTP))],
        out_specs=_row_spec(D_OUTP),
        out_shape=jax.ShapeDtypeStruct((N_NODES, D_OUTP), jnp.float32),
    )(a0, a1, xs1, p0, p1, b1r, W2p)


def _tc_c(c0, c1, xs2, p0, p1, b2r):
    return pl.pallas_call(
        _tc_c_body,
        grid=(_GRID,),
        in_specs=[_row_spec(D_OUTP), _row_spec(D_OUTP), _row_spec(D_OUTP),
                  _row_spec(16), _row_spec(16), _full_spec((1, D_OUTP))],
        out_specs=_row_spec(D_OUTP),
        out_shape=jax.ShapeDtypeStruct((N_NODES, D_OUTP), jnp.float32),
    )(c0, c1, xs2, p0, p1, b2r)


def kernel(x, edge_index, W1, b1, W2, b2):
    src = edge_index[0].astype(jnp.int32)
    dst = edge_index[1].astype(jnp.int32)
    pad = E_PAD - N_EDGES
    srcp = jnp.concatenate([src, jnp.zeros((pad,), jnp.int32)])
    dstp = jnp.concatenate([dst, jnp.full((pad,), N_NODES, jnp.int32)])
    srcp = srcp.reshape(NW, K_CHUNKS, CHUNK)
    dstp = dstp.reshape(NW, K_CHUNKS, CHUNK)

    degp = _deg_kernel(dstp)
    p0 = degp[:N_NODES, :16]
    p1 = degp[ACC_ROWS:ACC_ROWS + N_NODES, :16]

    xs1 = _tc_a(x, W1, p0, p1)

    agg1 = _agg128(xs1, srcp, dstp)
    a0 = agg1[:N_NODES]
    a1 = agg1[ACC_ROWS:ACC_ROWS + N_NODES]

    W2p = jnp.pad(W2, ((0, 0), (0, D_OUTP - D_OUT)))
    b1r = b1.reshape(1, D_HID)
    b2r = jnp.pad(b2, (0, D_OUTP - D_OUT)).reshape(1, D_OUTP)

    xs2 = _tc_b(a0, a1, xs1, p0, p1, b1r, W2p)

    agg2 = _agg128(xs2, srcp, dstp)
    c0 = agg2[:N_NODES]
    c1 = agg2[ACC_ROWS:ACC_ROWS + N_NODES]

    out = _tc_c(c0, c1, xs2, p0, p1, b2r)
    return out[:, :D_OUT]

# --- scband reference (transcript-rebuilt; emitter-appended) ---
"""Pipeline reference for scband-gcn-24661702214226 (READ-ONLY COPY).

The authoritative reference and input builder live on the scoring server;
editing this copy changes nothing except your own understanding.
"""

import jax, jax.numpy as jnp
import numpy as np

N_NODES = 10000
N_EDGES = 320000
D_IN = 128
D_HID = 128
D_OUT = 40


def setup_inputs(seed: int = 0) -> dict:
    key = jax.random.key(seed)
    k1, k2, k3, k4, k5, k6 = jax.random.split(key, 6)
    x = jax.random.normal(k1, (N_NODES, D_IN), dtype=jnp.float32)
    edge_index = jax.random.randint(k2, (2, N_EDGES), 0, N_NODES, dtype=jnp.int64)
    # Glorot-style init for GCNConv weights
    s1 = float(np.sqrt(6.0 / (D_IN + D_HID)))
    s2 = float(np.sqrt(6.0 / (D_HID + D_OUT)))
    W1 = jax.random.uniform(k3, (D_IN, D_HID), minval=-s1, maxval=s1, dtype=jnp.float32)
    b1 = jnp.zeros((D_HID,), dtype=jnp.float32)
    W2 = jax.random.uniform(k4, (D_HID, D_OUT), minval=-s2, maxval=s2, dtype=jnp.float32)
    b2 = jnp.zeros((D_OUT,), dtype=jnp.float32)
    return {"x": x, "edge_index": edge_index, "W1": W1, "b1": b1, "W2": W2, "b2": b2}


def _gcn_conv(x, src, dst, W, b, num_nodes):
    # GCNConv with added self-loops and symmetric normalization:
    # out = D^{-1/2} (A + I) D^{-1/2} X W + b
    h = x @ W
    deg = jnp.zeros((num_nodes,), dtype=h.dtype).at[dst].add(1.0)
    dinv = jnp.where(deg > 0, 1.0 / jnp.sqrt(deg), 0.0)
    norm = dinv[src] * dinv[dst]
    msg = h[src] * norm[:, None]
    out = jnp.zeros((num_nodes, h.shape[1]), dtype=h.dtype).at[dst].add(msg)
    return out + b


def reference(x, edge_index, W1, b1, W2, b2):
    num_nodes = x.shape[0]
    loops = jnp.arange(num_nodes, dtype=edge_index.dtype)
    src = jnp.concatenate([edge_index[0], loops])
    dst = jnp.concatenate([edge_index[1], loops])
    h = _gcn_conv(x, src, dst, W1, b1, num_nodes)
    h = jax.nn.relu(h)
    # dropout is identity in eval / deterministic reference
    out = _gcn_conv(h, src, dst, W2, b2, num_nodes)
    return jax.nn.log_softmax(out, axis=1)

if __name__ == "__main__":
    import jax
    _d = setup_inputs()
    print(jax.jit(kernel)(*tuple(_d.values())))

</pallas_src>

<mosaic_0001>
#map = affine_map<(d0, d1) -> (0, 0, 0)>
#map1 = affine_map<(d0, d1) -> (0, 0)>
module attributes {stable_mosaic.version = 14 : i64} {
  func.func @deg_kernel(%arg0: i32, %arg1: i32, %arg2: memref<32x79x128xi32, #tpu.memory_space<hbm>>, %arg3: memref<20480x128xf32, #tpu.memory_space<hbm>>, %arg4: memref<79x128xi32, #tpu.memory_space<vmem>>, %arg5: memref<128x128xf32, #tpu.memory_space<vmem>>, %arg6: memref<128x128xf32, #tpu.memory_space<vmem>>, %arg7: memref<10240x128xf32, #tpu.memory_space<vmem_shared>>, %arg8: memref<!tpu.dma_semaphore, #tpu.memory_space<semaphore_mem>>) attributes {dimension_semantics = [#tpu.dimension_semantics<core_parallel>, #tpu.dimension_semantics<subcore_parallel>], iteration_bounds = array<i64: 2, 16>, scalar_prefetch = 0 : i64, scratch_operands = 5 : i64, tpu.core_type = #tpu.core_type<sc_vector_subcore>, window_params = [{transform_indices = #map}, {transform_indices = #map1}]} {
    %mul3A = arith.constant 2 : i32
    %mul3A_0 = arith.muli %arg1, %mul3A : i32
    %add3A = arith.addi %mul3A_0, %arg0 : i32
    %scan3A = arith.constant 0 : i32
    %scan3A_1 = arith.constant 0 : i32
    %scan3A_2 = arith.constant 128 : i32
    %scan3A_3 = arith.addi %scan3A_1, %scan3A_2 : i32
    %scan3A_4 = arith.constant 1 : i32
    %scan3A_5 = scf.for %scan3A_49 = %scan3A_1 to %scan3A_3 step %scan3A_4 iter_args(%scan3A_50 = %scan3A) -> (i32)  : i32 {
      %scan3A_51 = arith.constant 0 : i32
      %scan3A_52 = arith.constant 0 : i32
      %scan3A_53 = arith.constant 8 : i32
      %scan3A_54 = arith.addi %scan3A_52, %scan3A_53 : i32
      %scan3A_55 = arith.constant 1 : i32
      %scan3A_56 = scf.for %scan3A_58 = %scan3A_52 to %scan3A_54 step %scan3A_55 iter_args(%scan3A_59 = %scan3A_51) -> (i32)  : i32 {
        %broadcast_in_dim3A = arith.constant 0.000000e+00 : f32
        %broadcast_in_dim3A_60 = vector.broadcast %broadcast_in_dim3A : f32 to vector<16xf32>
        %mul3A_61 = arith.constant 16 : i32
        %mul3A_62 = arith.muli %scan3A_58, %mul3A_61 : i32
        %swap3A = arith.index_cast %scan3A_49 : i32 to index
        %swap3A_63 = arith.index_cast %mul3A_62 : i32 to index
        %swap3A_64 = tpu.vector_load %arg6[%swap3A, %swap3A_63] {strides = array<i32>} : memref<128x128xf32, #tpu.memory_space<vmem>>, vector<1x16xf32>,
        %swap3A_65 = vector.shape_cast %swap3A_64 : vector<1x16xf32> to vector<16xf32>
        %swap3A_66 = vector.shape_cast %broadcast_in_dim3A_60 : vector<16xf32> to vector<1x16xf32>
        tpu.vector_store %arg6[%swap3A, %swap3A_63], %swap3A_66 {strides = array<i32>} : memref<128x128xf32, #tpu.memory_space<vmem>>, vector<1x16xf32>,
        %scan3A_67 = arith.constant 0 : i32
        scf.yield %scan3A_67 : i32
      }
      %scan3A_57 = arith.constant 8 : i32
      scf.yield %scan3A_56 : i32
    }
    %scan3A_6 = arith.constant 128 : i32
    %scan3A_7 = arith.constant 0 : i32
    %scan3A_8 = arith.constant 0 : i32
    %scan3A_9 = arith.constant 128 : i32
    %scan3A_10 = arith.addi %scan3A_8, %scan3A_9 : i32
    %scan3A_11 = arith.constant 1 : i32
    %scan3A_12 = scf.for %scan3A_49 = %scan3A_8 to %scan3A_10 step %scan3A_11 iter_args(%scan3A_50 = %scan3A_7) -> (i32)  : i32 {
      %scan3A_51 = arith.constant 0 : i32
      %scan3A_52 = arith.constant 0 : i32
      %scan3A_53 = arith.constant 8 : i32
      %scan3A_54 = arith.addi %scan3A_52, %scan3A_53 : i32
      %scan3A_55 = arith.constant 1 : i32
      %scan3A_56 = scf.for %scan3A_58 = %scan3A_52 to %scan3A_54 step %scan3A_55 iter_args(%scan3A_59 = %scan3A_51) -> (i32)  : i32 {
        %broadcast_in_dim3A = arith.constant 1.000000e+00 : f32
        %broadcast_in_dim3A_60 = vector.broadcast %broadcast_in_dim3A : f32 to vector<16xf32>
        %mul3A_61 = arith.constant 16 : i32
        %mul3A_62 = arith.muli %scan3A_58, %mul3A_61 : i32
        %swap3A = arith.index_cast %scan3A_49 : i32 to index
        %swap3A_63 = arith.index_cast %mul3A_62 : i32 to index
        %swap3A_64 = tpu.vector_load %arg5[%swap3A, %swap3A_63] {strides = array<i32>} : memref<128x128xf32, #tpu.memory_space<vmem>>, vector<1x16xf32>,
        %swap3A_65 = vector.shape_cast %swap3A_64 : vector<1x16xf32> to vector<16xf32>
        %swap3A_66 = vector.shape_cast %broadcast_in_dim3A_60 : vector<16xf32> to vector<1x16xf32>
        tpu.vector_store %arg5[%swap3A, %swap3A_63], %swap3A_66 {strides = array<i32>} : memref<128x128xf32, #tpu.memory_space<vmem>>, vector<1x16xf32>,
        %scan3A_67 = arith.constant 0 : i32
        scf.yield %scan3A_67 : i32
      }
      %scan3A_57 = arith.constant 8 : i32
      scf.yield %scan3A_56 : i32
    }
    %scan3A_13 = arith.constant 128 : i32
    %mul3A_14 = arith.constant 640 : i32
    %mul3A_15 = arith.muli %arg1, %mul3A_14 : i32
    %add3A_16 = arith.constant 0 : i32
    %add3A_17 = arith.addi %mul3A_15, %add3A_16 : i32
    "tpu.region"() ({
      %run_scoped3A = tpu.sem_alloc : memref<!tpu.dma_semaphore, #tpu.memory_space<semaphore_mem>>
      %dma_start3A = arith.constant 0 : i32
      %dma_start3A_49 = tpu.memref_slice %arg7[%add3A_17, %dma_start3A] : memref<10240x128xf32, #tpu.memory_space<vmem_shared>> -> memref<128x128xf32, #tpu.memory_space<vmem_shared>>
      %dma_start3A_50 = arith.constant 0 : i32
      %dma_start3A_51 = tpu.memref_slice %arg7[%add3A_17, %dma_start3A_50] : memref<10240x128xf32, #tpu.memory_space<vmem_shared>> -> memref<128x128xf32, #tpu.memory_space<vmem_shared>>
      tpu.enqueue_dma source(%arg6 : memref<128x128xf32, #tpu.memory_space<vmem>>) target(%dma_start3A_51 : memref<128x128xf32, #tpu.memory_space<vmem_shared>>) target_semaphore(%run_scoped3A : memref<!tpu.dma_semaphore, #tpu.memory_space<semaphore_mem>>)
      %dma_wait3A = arith.constant 0 : i32
      %dma_wait3A_52 = tpu.memref_slice %arg7[%add3A_17, %dma_wait3A] : memref<10240x128xf32, #tpu.memory_space<vmem_shared>> -> memref<128x128xf32, #tpu.memory_space<vmem_shared>>
      %dma_wait3A_53 = arith.constant 0 : i32
      %dma_wait3A_54 = tpu.memref_slice %arg7[%add3A_17, %dma_wait3A_53] : memref<10240x128xf32, #tpu.memory_space<vmem_shared>> -> memref<128x128xf32, #tpu.memory_space<vmem_shared>>
      tpu.wait_dma2 semaphore(%run_scoped3A : memref<!tpu.dma_semaphore, #tpu.memory_space<semaphore_mem>>) src(%arg6 : memref<128x128xf32, #tpu.memory_space<vmem>>) dst(%dma_wait3A_54 : memref<128x128xf32, #tpu.memory_space<vmem_shared>>)
      tpu.yield
    }) : () -> ()
    %mul3A_18 = arith.constant 640 : i32
    %mul3A_19 = arith.muli %arg1, %mul3A_18 : i32
    %add3A_20 = arith.constant 128 : i32
    %add3A_21 = arith.addi %mul3A_19, %add3A_20 : i32
    "tpu.region"() ({
      %run_scoped3A = tpu.sem_alloc : memref<!tpu.dma_semaphore, #tpu.memory_space<semaphore_mem>>
      %dma_start3A = arith.constant 0 : i32
      %dma_start3A_49 = tpu.memref_slice %arg7[%add3A_21, %dma_start3A] : memref<10240x128xf32, #tpu.memory_space<vmem_shared>> -> memref<128x128xf32, #tpu.memory_space<vmem_shared>>
      %dma_start3A_50 = arith.constant 0 : i32
      %dma_start3A_51 = tpu.memref_slice %arg7[%add3A_21, %dma_start3A_50] : memref<10240x128xf32, #tpu.memory_space<vmem_shared>> -> memref<128x128xf32, #tpu.memory_space<vmem_shared>>
      tpu.enqueue_dma source(%arg6 : memref<128x128xf32, #tpu.memory_space<vmem>>) target(%dma_start3A_51 : memref<128x128xf32, #tpu.memory_space<vmem_shared>>) target_semaphore(%run_scoped3A : memref<!tpu.dma_semaphore, #tpu.memory_space<semaphore_mem>>)
      %dma_wait3A = arith.constant 0 : i32
      %dma_wait3A_52 = tpu.memref_slice %arg7[%add3A_21, %dma_wait3A] : memref<10240x128xf32, #tpu.memory_space<vmem_shared>> -> memref<128x128xf32, #tpu.memory_space<vmem_shared>>
      %dma_wait3A_53 = arith.constant 0 : i32
      %dma_wait3A_54 = tpu.memref_slice %arg7[%add3A_21, %dma_wait3A_53] : memref<10240x128xf32, #tpu.memory_space<vmem_shared>> -> memref<128x128xf32, #tpu.memory_space<vmem_shared>>
      tpu.wait_dma2 semaphore(%run_scoped3A : memref<!tpu.dma_semaphore, #tpu.memory_space<semaphore_mem>>) src(%arg6 : memref<128x128xf32, #tpu.memory_space<vmem>>) dst(%dma_wait3A_54 : memref<128x128xf32, #tpu.memory_space<vmem_shared>>)
      tpu.yield
    }) : () -> ()
    %mul3A_22 = arith.constant 640 : i32
    %mul3A_23 = arith.muli %arg1, %mul3A_22 : i32
    %add3A_24 = arith.constant 256 : i32
    %add3A_25 = arith.addi %mul3A_23, %add3A_24 : i32
    "tpu.region"() ({
      %run_scoped3A = tpu.sem_alloc : memref<!tpu.dma_semaphore, #tpu.memory_space<semaphore_mem>>
      %dma_start3A = arith.constant 0 : i32
      %dma_start3A_49 = tpu.memref_slice %arg7[%add3A_25, %dma_start3A] : memref<10240x128xf32, #tpu.memory_space<vmem_shared>> -> memref<128x128xf32, #tpu.memory_space<vmem_shared>>
      %dma_start3A_50 = arith.constant 0 : i32
      %dma_start3A_51 = tpu.memref_slice %arg7[%add3A_25, %dma_start3A_50] : memref<10240x128xf32, #tpu.memory_space<vmem_shared>> -> memref<128x128xf32, #tpu.memory_space<vmem_shared>>
      tpu.enqueue_dma source(%arg6 : memref<128x128xf32, #tpu.memory_space<vmem>>) target(%dma_start3A_51 : memref<128x128xf32, #tpu.memory_space<vmem_shared>>) target_semaphore(%run_scoped3A : memref<!tpu.dma_semaphore, #tpu.memory_space<semaphore_mem>>)
      %dma_wait3A = arith.constant 0 : i32
      %dma_wait3A_52 = tpu.memref_slice %arg7[%add3A_25, %dma_wait3A] : memref<10240x128xf32, #tpu.memory_space<vmem_shared>> -> memref<128x128xf32, #tpu.memory_space<vmem_shared>>
      %dma_wait3A_53 = arith.constant 0 : i32
      %dma_wait3A_54 = tpu.memref_slice %arg7[%add3A_25, %dma_wait3A_53] : memref<10240x128xf32, #tpu.memory_space<vmem_shared>> -> memref<128x128xf32, #tpu.memory_space<vmem_shared>>
      tpu.wait_dma2 semaphore(%run_scoped3A : memref<!tpu.dma_semaphore, #tpu.memory_space<semaphore_mem>>) src(%arg6 : memref<128x128xf32, #tpu.memory_space<vmem>>) dst(%dma_wait3A_54 : memref<128x128xf32, #tpu.memory_space<vmem_shared>>)
      tpu.yield
    }) : () -> ()
    %mul3A_26 = arith.constant 640 : i32
    %mul3A_27 = arith.muli %arg1, %mul3A_26 : i32
    %add3A_28 = arith.constant 384 : i32
    %add3A_29 = arith.addi %mul3A_27, %add3A_28 : i32
    "tpu.region"() ({
      %run_scoped3A = tpu.sem_alloc : memref<!tpu.dma_semaphore, #tpu.memory_space<semaphore_mem>>
      %dma_start3A = arith.constant 0 : i32
      %dma_start3A_49 = tpu.memref_slice %arg7[%add3A_29, %dma_start3A] : memref<10240x128xf32, #tpu.memory_space<vmem_shared>> -> memref<128x128xf32, #tpu.memory_space<vmem_shared>>
      %dma_start3A_50 = arith.constant 0 : i32
      %dma_start3A_51 = tpu.memref_slice %arg7[%add3A_29, %dma_start3A_50] : memref<10240x128xf32, #tpu.memory_space<vmem_shared>> -> memref<128x128xf32, #tpu.memory_space<vmem_shared>>
      tpu.enqueue_dma source(%arg6 : memref<128x128xf32, #tpu.memory_space<vmem>>) target(%dma_start3A_51 : memref<128x128xf32, #tpu.memory_space<vmem_shared>>) target_semaphore(%run_scoped3A : memref<!tpu.dma_semaphore, #tpu.memory_space<semaphore_mem>>)
      %dma_wait3A = arith.constant 0 : i32
      %dma_wait3A_52 = tpu.memref_slice %arg7[%add3A_29, %dma_wait3A] : memref<10240x128xf32, #tpu.memory_space<vmem_shared>> -> memref<128x128xf32, #tpu.memory_space<vmem_shared>>
      %dma_wait3A_53 = arith.constant 0 : i32
      %dma_wait3A_54 = tpu.memref_slice %arg7[%add3A_29, %dma_wait3A_53] : memref<10240x128xf32, #tpu.memory_space<vmem_shared>> -> memref<128x128xf32, #tpu.memory_space<vmem_shared>>
      tpu.wait_dma2 semaphore(%run_scoped3A : memref<!tpu.dma_semaphore, #tpu.memory_space<semaphore_mem>>) src(%arg6 : memref<128x128xf32, #tpu.memory_space<vmem>>) dst(%dma_wait3A_54 : memref<128x128xf32, #tpu.memory_space<vmem_shared>>)
      tpu.yield
    }) : () -> ()
    %mul3A_30 = arith.constant 640 : i32
    %mul3A_31 = arith.muli %arg1, %mul3A_30 : i32
    %add3A_32 = arith.constant 512 : i32
    %add3A_33 = arith.addi %mul3A_31, %add3A_32 : i32
    "tpu.region"() ({
      %run_scoped3A = tpu.sem_alloc : memref<!tpu.dma_semaphore, #tpu.memory_space<semaphore_mem>>
      %dma_start3A = arith.constant 0 : i32
      %dma_start3A_49 = tpu.memref_slice %arg7[%add3A_33, %dma_start3A] : memref<10240x128xf32, #tpu.memory_space<vmem_shared>> -> memref<128x128xf32, #tpu.memory_space<vmem_shared>>
      %dma_start3A_50 = arith.constant 0 : i32
      %dma_start3A_51 = tpu.memref_slice %arg7[%add3A_33, %dma_start3A_50] : memref<10240x128xf32, #tpu.memory_space<vmem_shared>> -> memref<128x128xf32, #tpu.memory_space<vmem_shared>>
      tpu.enqueue_dma source(%arg6 : memref<128x128xf32, #tpu.memory_space<vmem>>) target(%dma_start3A_51 : memref<128x128xf32, #tpu.memory_space<vmem_shared>>) target_semaphore(%run_scoped3A : memref<!tpu.dma_semaphore, #tpu.memory_space<semaphore_mem>>)
      %dma_wait3A = arith.constant 0 : i32
      %dma_wait3A_52 = tpu.memref_slice %arg7[%add3A_33, %dma_wait3A] : memref<10240x128xf32, #tpu.memory_space<vmem_shared>> -> memref<128x128xf32, #tpu.memory_space<vmem_shared>>
      %dma_wait3A_53 = arith.constant 0 : i32
      %dma_wait3A_54 = tpu.memref_slice %arg7[%add3A_33, %dma_wait3A_53] : memref<10240x128xf32, #tpu.memory_space<vmem_shared>> -> memref<128x128xf32, #tpu.memory_space<vmem_shared>>
      tpu.wait_dma2 semaphore(%run_scoped3A : memref<!tpu.dma_semaphore, #tpu.memory_space<semaphore_mem>>) src(%arg6 : memref<128x128xf32, #tpu.memory_space<vmem>>) dst(%dma_wait3A_54 : memref<128x128xf32, #tpu.memory_space<vmem_shared>>)
      tpu.yield
    }) : () -> ()
    %barrier3A = arith.constant 0 : index
    tpu.barrier barrier_id(%barrier3A)
    "tpu.region"() ({
      %run_scoped3A = tpu.sem_alloc : memref<!tpu.dma_semaphore, #tpu.memory_space<semaphore_mem>>
      %dma_start3A = arith.constant 0 : i32
      %dma_start3A_49 = arith.constant 0 : i32
      %dma_start3A_50 = tpu.memref_slice %arg2[%add3A, %dma_start3A, %dma_start3A_49] : memref<32x79x128xi32, #tpu.memory_space<hbm>> -> memref<1x79x128xi32, #tpu.memory_space<hbm>>
      %dma_start3A_51 = tpu.memref_squeeze %dma_start3A_50 : memref<1x79x128xi32, #tpu.memory_space<hbm>> -> memref<79x128xi32, #tpu.memory_space<hbm>>
      %dma_start3A_52 = arith.constant 0 : i32
      %dma_start3A_53 = arith.constant 0 : i32
      %dma_start3A_54 = tpu.memref_slice %arg2[%add3A, %dma_start3A_52, %dma_start3A_53] : memref<32x79x128xi32, #tpu.memory_space<hbm>> -> memref<1x79x128xi32, #tpu.memory_space<hbm>>
      %dma_start3A_55 = tpu.memref_squeeze %dma_start3A_54 : memref<1x79x128xi32, #tpu.memory_space<hbm>> -> memref<79x128xi32, #tpu.memory_space<hbm>>
      tpu.enqueue_dma source(%dma_start3A_55 : memref<79x128xi32, #tpu.memory_space<hbm>>) target(%arg4 : memref<79x128xi32, #tpu.memory_space<vmem>>) target_semaphore(%run_scoped3A : memref<!tpu.dma_semaphore, #tpu.memory_space<semaphore_mem>>)
      %dma_wait3A = arith.constant 0 : i32
      %dma_wait3A_56 = arith.constant 0 : i32
      %dma_wait3A_57 = tpu.memref_slice %arg2[%add3A, %dma_wait3A, %dma_wait3A_56] : memref<32x79x128xi32, #tpu.memory_space<hbm>> -> memref<1x79x128xi32, #tpu.memory_space<hbm>>
      %dma_wait3A_58 = tpu.memref_squeeze %dma_wait3A_57 : memref<1x79x128xi32, #tpu.memory_space<hbm>> -> memref<79x128xi32, #tpu.memory_space<hbm>>
      %dma_wait3A_59 = arith.constant 0 : i32
      %dma_wait3A_60 = arith.constant 0 : i32
      %dma_wait3A_61 = tpu.memref_slice %arg2[%add3A, %dma_wait3A_59, %dma_wait3A_60] : memref<32x79x128xi32, #tpu.memory_space<hbm>> -> memref<1x79x128xi32, #tpu.memory_space<hbm>>
      %dma_wait3A_62 = tpu.memref_squeeze %dma_wait3A_61 : memref<1x79x128xi32, #tpu.memory_space<hbm>> -> memref<79x128xi32, #tpu.memory_space<hbm>>
      tpu.wait_dma2 semaphore(%run_scoped3A : memref<!tpu.dma_semaphore, #tpu.memory_space<semaphore_mem>>) src(%dma_wait3A_62 : memref<79x128xi32, #tpu.memory_space<hbm>>) dst(%arg4 : memref<79x128xi32, #tpu.memory_space<vmem>>)
      tpu.yield
    }) : () -> ()
    %scan3A_34 = arith.constant 0 : i32
    %scan3A_35 = arith.constant 0 : i32
    %scan3A_36 = arith.constant 79 : i32
    %scan3A_37 = arith.addi %scan3A_35, %scan3A_36 : i32
    %scan3A_38 = arith.constant 1 : i32
    %scan3A_39 = scf.for %scan3A_49 = %scan3A_35 to %scan3A_37 step %scan3A_38 iter_args(%scan3A_50 = %scan3A_34) -> (i32)  : i32 {
      "tpu.region"() ({
        %run_scoped3A = tpu.sem_alloc : memref<!tpu.dma_semaphore, #tpu.memory_space<semaphore_mem>>
        %dma_start3A = arith.constant 0 : i32
        %dma_start3A_52 = tpu.memref_slice %arg4[%scan3A_49, %dma_start3A] : memref<79x128xi32, #tpu.memory_space<vmem>> -> memref<1x128xi32, #tpu.memory_space<vmem>>
        %dma_start3A_53 = tpu.memref_squeeze %dma_start3A_52 : memref<1x128xi32, #tpu.memory_space<vmem>> -> memref<128xi32, #tpu.memory_space<vmem>>
        %dma_start3A_54 = arith.constant 0 : i32
        %dma_start3A_55 = arith.constant 0 : i32
        %dma_start3A_56 = tpu.memref_slice %arg7[%dma_start3A_54, %dma_start3A_55] : memref<10240x128xf32, #tpu.memory_space<vmem_shared>> -> memref<10240x128xf32, #tpu.memory_space<vmem_shared>>
        tpu.enqueue_indirect_dma source(%arg5 : memref<128x128xf32, #tpu.memory_space<vmem>>) target(%dma_start3A_56 : memref<10240x128xf32, #tpu.memory_space<vmem_shared>>) offsets(%dma_start3A_53 : memref<128xi32, #tpu.memory_space<vmem>>) semaphore(%run_scoped3A : memref<!tpu.dma_semaphore, #tpu.memory_space<semaphore_mem>>) {add = true}
        %dma_wait3A = arith.constant 0 : i32
        %dma_wait3A_57 = tpu.memref_slice %arg4[%scan3A_49, %dma_wait3A] : memref<79x128xi32, #tpu.memory_space<vmem>> -> memref<1x128xi32, #tpu.memory_space<vmem>>
        %dma_wait3A_58 = tpu.memref_squeeze %dma_wait3A_57 : memref<1x128xi32, #tpu.memory_space<vmem>> -> memref<128xi32, #tpu.memory_space<vmem>>
        %dma_wait3A_59 = arith.constant 0 : i32
        %dma_wait3A_60 = arith.constant 0 : i32
        %dma_wait3A_61 = tpu.memref_slice %arg7[%dma_wait3A_59, %dma_wait3A_60] : memref<10240x128xf32, #tpu.memory_space<vmem_shared>> -> memref<10240x128xf32, #tpu.memory_space<vmem_shared>>
        tpu.wait_indirect_dma semaphore(%run_scoped3A : memref<!tpu.dma_semaphore, #tpu.memory_space<semaphore_mem>>) src(%arg5 : memref<128x128xf32, #tpu.memory_space<vmem>>) dst(%dma_wait3A_61 : memref<10240x128xf32, #tpu.memory_space<vmem_shared>>)
        tpu.yield
      }) : () -> ()
      %scan3A_51 = arith.constant 0 : i32
      scf.yield %scan3A_51 : i32
    }
    %scan3A_40 = arith.constant 79 : i32
    %barrier3A_41 = arith.constant 0 : index
    tpu.barrier barrier_id(%barrier3A_41)
    %mul3A_42 = arith.constant 10240 : i32
    %mul3A_43 = arith.muli %arg0, %mul3A_42 : i32
    %mul3A_44 = arith.constant 640 : i32
    %mul3A_45 = arith.muli %arg1, %mul3A_44 : i32
    %add3A_46 = arith.addi %mul3A_43, %mul3A_45 : i32
    %mul3A_47 = arith.constant 640 : i32
    %mul3A_48 = arith.muli %arg1, %mul3A_47 : i32
    "tpu.region"() ({
      %run_scoped3A = tpu.sem_alloc : memref<!tpu.dma_semaphore, #tpu.memory_space<semaphore_mem>>
      %dma_start3A = arith.constant 0 : i32
      %dma_start3A_49 = tpu.memref_slice %arg3[%add3A_46, %dma_start3A] : memref<20480x128xf32, #tpu.memory_space<hbm>> -> memref<640x128xf32, #tpu.memory_space<hbm>>
      %dma_start3A_50 = arith.constant 0 : i32
      %dma_start3A_51 = tpu.memref_slice %arg7[%mul3A_48, %dma_start3A_50] : memref<10240x128xf32, #tpu.memory_space<vmem_shared>> -> memref<640x128xf32, #tpu.memory_space<vmem_shared>>
      tpu.enqueue_dma source(%dma_start3A_51 : memref<640x128xf32, #tpu.memory_space<vmem_shared>>) target(%dma_start3A_49 : memref<640x128xf32, #tpu.memory_space<hbm>>) target_semaphore(%run_scoped3A : memref<!tpu.dma_semaphore, #tpu.memory_space<semaphore_mem>>)
      %dma_wait3A = arith.constant 0 : i32
      %dma_wait3A_52 = tpu.memref_slice %arg3[%add3A_46, %dma_wait3A] : memref<20480x128xf32, #tpu.memory_space<hbm>> -> memref<640x128xf32, #tpu.memory_space<hbm>>
      %dma_wait3A_53 = arith.constant 0 : i32
      %dma_wait3A_54 = tpu.memref_slice %arg7[%mul3A_48, %dma_wait3A_53] : memref<10240x128xf32, #tpu.memory_space<vmem_shared>> -> memref<640x128xf32, #tpu.memory_space<vmem_shared>>
      tpu.wait_dma2 semaphore(%run_scoped3A : memref<!tpu.dma_semaphore, #tpu.memory_space<semaphore_mem>>) src(%dma_wait3A_54 : memref<640x128xf32, #tpu.memory_space<vmem_shared>>) dst(%dma_wait3A_52 : memref<640x128xf32, #tpu.memory_space<hbm>>)
      tpu.yield
    }) : () -> ()
    return
  }
}

#map = affine_map<(d0, d1) -> (0, 0)>
#map1 = affine_map<(d0, d1) -> (0, 0, 0)>
module attributes {stable_mosaic.version = 14 : i64} {
  func.func @agg_kernel(%arg0: i32, %arg1: i32, %arg2: memref<10000x128xf32, #tpu.memory_space<hbm>>, %arg3: memref<32x79x128xi32, #tpu.memory_space<hbm>>, %arg4: memref<32x79x128xi32, #tpu.memory_space<hbm>>, %arg5: memref<20480x128xf32, #tpu.memory_space<hbm>>, %arg6: memref<79x128xi32, #tpu.memory_space<vmem>>, %arg7: memref<79x128xi32, #tpu.memory_space<vmem>>, %arg8: memref<128x128xf32, #tpu.memory_space<vmem>>, %arg9: memref<10240x128xf32, #tpu.memory_space<vmem_shared>>, %arg10: memref<!tpu.dma_semaphore, #tpu.memory_space<semaphore_mem>>) attributes {dimension_semantics = [#tpu.dimension_semantics<core_parallel>, #tpu.dimension_semantics<subcore_parallel>], iteration_bounds = array<i64: 2, 16>, scalar_prefetch = 0 : i64, scratch_operands = 5 : i64, tpu.core_type = #tpu.core_type<sc_vector_subcore>, window_params = [{transform_indices = #map}, {transform_indices = #map1}, {transform_indices = #map1}, {transform_indices = #map}]} {
    %mul3A = arith.constant 2 : i32
    %mul3A_0 = arith.muli %arg1, %mul3A : i32
    %add3A = arith.addi %mul3A_0, %arg0 : i32
    %scan3A = arith.constant 0 : i32
    %scan3A_1 = arith.constant 0 : i32
    %scan3A_2 = arith.constant 128 : i32
    %scan3A_3 = arith.addi %scan3A_1, %scan3A_2 : i32
    %scan3A_4 = arith.constant 1 : i32
    %scan3A_5 = scf.for %scan3A_42 = %scan3A_1 to %scan3A_3 step %scan3A_4 iter_args(%scan3A_43 = %scan3A) -> (i32)  : i32 {
      %scan3A_44 = arith.constant 0 : i32
      %scan3A_45 = arith.constant 0 : i32
      %scan3A_46 = arith.constant 8 : i32
      %scan3A_47 = arith.addi %scan3A_45, %scan3A_46 : i32
      %scan3A_48 = arith.constant 1 : i32
      %scan3A_49 = scf.for %scan3A_51 = %scan3A_45 to %scan3A_47 step %scan3A_48 iter_args(%scan3A_52 = %scan3A_44) -> (i32)  : i32 {
        %broadcast_in_dim3A = arith.constant 0.000000e+00 : f32
        %broadcast_in_dim3A_53 = vector.broadcast %broadcast_in_dim3A : f32 to vector<16xf32>
        %mul3A_54 = arith.constant 16 : i32
        %mul3A_55 = arith.muli %scan3A_51, %mul3A_54 : i32
        %swap3A = arith.index_cast %scan3A_42 : i32 to index
        %swap3A_56 = arith.index_cast %mul3A_55 : i32 to index
        %swap3A_57 = tpu.vector_load %arg8[%swap3A, %swap3A_56] {strides = array<i32>} : memref<128x128xf32, #tpu.memory_space<vmem>>, vector<1x16xf32>,
        %swap3A_58 = vector.shape_cast %swap3A_57 : vector<1x16xf32> to vector<16xf32>
        %swap3A_59 = vector.shape_cast %broadcast_in_dim3A_53 : vector<16xf32> to vector<1x16xf32>
        tpu.vector_store %arg8[%swap3A, %swap3A_56], %swap3A_59 {strides = array<i32>} : memref<128x128xf32, #tpu.memory_space<vmem>>, vector<1x16xf32>,
        %scan3A_60 = arith.constant 0 : i32
        scf.yield %scan3A_60 : i32
      }
      %scan3A_50 = arith.constant 8 : i32
      scf.yield %scan3A_49 : i32
    }
    %scan3A_6 = arith.constant 128 : i32
    %mul3A_7 = arith.constant 640 : i32
    %mul3A_8 = arith.muli %arg1, %mul3A_7 : i32
    %add3A_9 = arith.constant 0 : i32
    %add3A_10 = arith.addi %mul3A_8, %add3A_9 : i32
    "tpu.region"() ({
      %run_scoped3A = tpu.sem_alloc : memref<!tpu.dma_semaphore, #tpu.memory_space<semaphore_mem>>
      %dma_start3A = arith.constant 0 : i32
      %dma_start3A_42 = tpu.memref_slice %arg9[%add3A_10, %dma_start3A] : memref<10240x128xf32, #tpu.memory_space<vmem_shared>> -> memref<128x128xf32, #tpu.memory_space<vmem_shared>>
      %dma_start3A_43 = arith.constant 0 : i32
      %dma_start3A_44 = tpu.memref_slice %arg9[%add3A_10, %dma_start3A_43] : memref<10240x128xf32, #tpu.memory_space<vmem_shared>> -> memref<128x128xf32, #tpu.memory_space<vmem_shared>>
      tpu.enqueue_dma source(%arg8 : memref<128x128xf32, #tpu.memory_space<vmem>>) target(%dma_start3A_44 : memref<128x128xf32, #tpu.memory_space<vmem_shared>>) target_semaphore(%run_scoped3A : memref<!tpu.dma_semaphore, #tpu.memory_space<semaphore_mem>>)
      %dma_wait3A = arith.constant 0 : i32
      %dma_wait3A_45 = tpu.memref_slice %arg9[%add3A_10, %dma_wait3A] : memref<10240x128xf32, #tpu.memory_space<vmem_shared>> -> memref<128x128xf32, #tpu.memory_space<vmem_shared>>
      %dma_wait3A_46 = arith.constant 0 : i32
      %dma_wait3A_47 = tpu.memref_slice %arg9[%add3A_10, %dma_wait3A_46] : memref<10240x128xf32, #tpu.memory_space<vmem_shared>> -> memref<128x128xf32, #tpu.memory_space<vmem_shared>>
      tpu.wait_dma2 semaphore(%run_scoped3A : memref<!tpu.dma_semaphore, #tpu.memory_space<semaphore_mem>>) src(%arg8 : memref<128x128xf32, #tpu.memory_space<vmem>>) dst(%dma_wait3A_47 : memref<128x128xf32, #tpu.memory_space<vmem_shared>>)
      tpu.yield
    }) : () -> ()
    %mul3A_11 = arith.constant 640 : i32
    %mul3A_12 = arith.muli %arg1, %mul3A_11 : i32
    %add3A_13 = arith.constant 128 : i32
    %add3A_14 = arith.addi %mul3A_12, %add3A_13 : i32
    "tpu.region"() ({
      %run_scoped3A = tpu.sem_alloc : memref<!tpu.dma_semaphore, #tpu.memory_space<semaphore_mem>>
      %dma_start3A = arith.constant 0 : i32
      %dma_start3A_42 = tpu.memref_slice %arg9[%add3A_14, %dma_start3A] : memref<10240x128xf32, #tpu.memory_space<vmem_shared>> -> memref<128x128xf32, #tpu.memory_space<vmem_shared>>
      %dma_start3A_43 = arith.constant 0 : i32
      %dma_start3A_44 = tpu.memref_slice %arg9[%add3A_14, %dma_start3A_43] : memref<10240x128xf32, #tpu.memory_space<vmem_shared>> -> memref<128x128xf32, #tpu.memory_space<vmem_shared>>
      tpu.enqueue_dma source(%arg8 : memref<128x128xf32, #tpu.memory_space<vmem>>) target(%dma_start3A_44 : memref<128x128xf32, #tpu.memory_space<vmem_shared>>) target_semaphore(%run_scoped3A : memref<!tpu.dma_semaphore, #tpu.memory_space<semaphore_mem>>)
      %dma_wait3A = arith.constant 0 : i32
      %dma_wait3A_45 = tpu.memref_slice %arg9[%add3A_14, %dma_wait3A] : memref<10240x128xf32, #tpu.memory_space<vmem_shared>> -> memref<128x128xf32, #tpu.memory_space<vmem_shared>>
      %dma_wait3A_46 = arith.constant 0 : i32
      %dma_wait3A_47 = tpu.memref_slice %arg9[%add3A_14, %dma_wait3A_46] : memref<10240x128xf32, #tpu.memory_space<vmem_shared>> -> memref<128x128xf32, #tpu.memory_space<vmem_shared>>
      tpu.wait_dma2 semaphore(%run_scoped3A : memref<!tpu.dma_semaphore, #tpu.memory_space<semaphore_mem>>) src(%arg8 : memref<128x128xf32, #tpu.memory_space<vmem>>) dst(%dma_wait3A_47 : memref<128x128xf32, #tpu.memory_space<vmem_shared>>)
      tpu.yield
    }) : () -> ()
    %mul3A_15 = arith.constant 640 : i32
    %mul3A_16 = arith.muli %arg1, %mul3A_15 : i32
    %add3A_17 = arith.constant 256 : i32
    %add3A_18 = arith.addi %mul3A_16, %add3A_17 : i32
    "tpu.region"() ({
      %run_scoped3A = tpu.sem_alloc : memref<!tpu.dma_semaphore, #tpu.memory_space<semaphore_mem>>
      %dma_start3A = arith.constant 0 : i32
      %dma_start3A_42 = tpu.memref_slice %arg9[%add3A_18, %dma_start3A] : memref<10240x128xf32, #tpu.memory_space<vmem_shared>> -> memref<128x128xf32, #tpu.memory_space<vmem_shared>>
      %dma_start3A_43 = arith.constant 0 : i32
      %dma_start3A_44 = tpu.memref_slice %arg9[%add3A_18, %dma_start3A_43] : memref<10240x128xf32, #tpu.memory_space<vmem_shared>> -> memref<128x128xf32, #tpu.memory_space<vmem_shared>>
      tpu.enqueue_dma source(%arg8 : memref<128x128xf32, #tpu.memory_space<vmem>>) target(%dma_start3A_44 : memref<128x128xf32, #tpu.memory_space<vmem_shared>>) target_semaphore(%run_scoped3A : memref<!tpu.dma_semaphore, #tpu.memory_space<semaphore_mem>>)
      %dma_wait3A = arith.constant 0 : i32
      %dma_wait3A_45 = tpu.memref_slice %arg9[%add3A_18, %dma_wait3A] : memref<10240x128xf32, #tpu.memory_space<vmem_shared>> -> memref<128x128xf32, #tpu.memory_space<vmem_shared>>
      %dma_wait3A_46 = arith.constant 0 : i32
      %dma_wait3A_47 = tpu.memref_slice %arg9[%add3A_18, %dma_wait3A_46] : memref<10240x128xf32, #tpu.memory_space<vmem_shared>> -> memref<128x128xf32, #tpu.memory_space<vmem_shared>>
      tpu.wait_dma2 semaphore(%run_scoped3A : memref<!tpu.dma_semaphore, #tpu.memory_space<semaphore_mem>>) src(%arg8 : memref<128x128xf32, #tpu.memory_space<vmem>>) dst(%dma_wait3A_47 : memref<128x128xf32, #tpu.memory_space<vmem_shared>>)
      tpu.yield
    }) : () -> ()
    %mul3A_19 = arith.constant 640 : i32
    %mul3A_20 = arith.muli %arg1, %mul3A_19 : i32
    %add3A_21 = arith.constant 384 : i32
    %add3A_22 = arith.addi %mul3A_20, %add3A_21 : i32
    "tpu.region"() ({
      %run_scoped3A = tpu.sem_alloc : memref<!tpu.dma_semaphore, #tpu.memory_space<semaphore_mem>>
      %dma_start3A = arith.constant 0 : i32
      %dma_start3A_42 = tpu.memref_slice %arg9[%add3A_22, %dma_start3A] : memref<10240x128xf32, #tpu.memory_space<vmem_shared>> -> memref<128x128xf32, #tpu.memory_space<vmem_shared>>
      %dma_start3A_43 = arith.constant 0 : i32
      %dma_start3A_44 = tpu.memref_slice %arg9[%add3A_22, %dma_start3A_43] : memref<10240x128xf32, #tpu.memory_space<vmem_shared>> -> memref<128x128xf32, #tpu.memory_space<vmem_shared>>
      tpu.enqueue_dma source(%arg8 : memref<128x128xf32, #tpu.memory_space<vmem>>) target(%dma_start3A_44 : memref<128x128xf32, #tpu.memory_space<vmem_shared>>) target_semaphore(%run_scoped3A : memref<!tpu.dma_semaphore, #tpu.memory_space<semaphore_mem>>)
      %dma_wait3A = arith.constant 0 : i32
      %dma_wait3A_45 = tpu.memref_slice %arg9[%add3A_22, %dma_wait3A] : memref<10240x128xf32, #tpu.memory_space<vmem_shared>> -> memref<128x128xf32, #tpu.memory_space<vmem_shared>>
      %dma_wait3A_46 = arith.constant 0 : i32
      %dma_wait3A_47 = tpu.memref_slice %arg9[%add3A_22, %dma_wait3A_46] : memref<10240x128xf32, #tpu.memory_space<vmem_shared>> -> memref<128x128xf32, #tpu.memory_space<vmem_shared>>
      tpu.wait_dma2 semaphore(%run_scoped3A : memref<!tpu.dma_semaphore, #tpu.memory_space<semaphore_mem>>) src(%arg8 : memref<128x128xf32, #tpu.memory_space<vmem>>) dst(%dma_wait3A_47 : memref<128x128xf32, #tpu.memory_space<vmem_shared>>)
      tpu.yield
    }) : () -> ()
    %mul3A_23 = arith.constant 640 : i32
    %mul3A_24 = arith.muli %arg1, %mul3A_23 : i32
    %add3A_25 = arith.constant 512 : i32
    %add3A_26 = arith.addi %mul3A_24, %add3A_25 : i32
    "tpu.region"() ({
      %run_scoped3A = tpu.sem_alloc : memref<!tpu.dma_semaphore, #tpu.memory_space<semaphore_mem>>
      %dma_start3A = arith.constant 0 : i32
      %dma_start3A_42 = tpu.memref_slice %arg9[%add3A_26, %dma_start3A] : memref<10240x128xf32, #tpu.memory_space<vmem_shared>> -> memref<128x128xf32, #tpu.memory_space<vmem_shared>>
      %dma_start3A_43 = arith.constant 0 : i32
      %dma_start3A_44 = tpu.memref_slice %arg9[%add3A_26, %dma_start3A_43] : memref<10240x128xf32, #tpu.memory_space<vmem_shared>> -> memref<128x128xf32, #tpu.memory_space<vmem_shared>>
      tpu.enqueue_dma source(%arg8 : memref<128x128xf32, #tpu.memory_space<vmem>>) target(%dma_start3A_44 : memref<128x128xf32, #tpu.memory_space<vmem_shared>>) target_semaphore(%run_scoped3A : memref<!tpu.dma_semaphore, #tpu.memory_space<semaphore_mem>>)
      %dma_wait3A = arith.constant 0 : i32
      %dma_wait3A_45 = tpu.memref_slice %arg9[%add3A_26, %dma_wait3A] : memref<10240x128xf32, #tpu.memory_space<vmem_shared>> -> memref<128x128xf32, #tpu.memory_space<vmem_shared>>
      %dma_wait3A_46 = arith.constant 0 : i32
      %dma_wait3A_47 = tpu.memref_slice %arg9[%add3A_26, %dma_wait3A_46] : memref<10240x128xf32, #tpu.memory_space<vmem_shared>> -> memref<128x128xf32, #tpu.memory_space<vmem_shared>>
      tpu.wait_dma2 semaphore(%run_scoped3A : memref<!tpu.dma_semaphore, #tpu.memory_space<semaphore_mem>>) src(%arg8 : memref<128x128xf32, #tpu.memory_space<vmem>>) dst(%dma_wait3A_47 : memref<128x128xf32, #tpu.memory_space<vmem_shared>>)
      tpu.yield
    }) : () -> ()
    %barrier3A = arith.constant 0 : index
    tpu.barrier barrier_id(%barrier3A)
    "tpu.region"() ({
      %run_scoped3A = tpu.sem_alloc : memref<!tpu.dma_semaphore, #tpu.memory_space<semaphore_mem>>
      %dma_start3A = arith.constant 0 : i32
      %dma_start3A_42 = arith.constant 0 : i32
      %dma_start3A_43 = tpu.memref_slice %arg3[%add3A, %dma_start3A, %dma_start3A_42] : memref<32x79x128xi32, #tpu.memory_space<hbm>> -> memref<1x79x128xi32, #tpu.memory_space<hbm>>
      %dma_start3A_44 = tpu.memref_squeeze %dma_start3A_43 : memref<1x79x128xi32, #tpu.memory_space<hbm>> -> memref<79x128xi32, #tpu.memory_space<hbm>>
      %dma_start3A_45 = arith.constant 0 : i32
      %dma_start3A_46 = arith.constant 0 : i32
      %dma_start3A_47 = tpu.memref_slice %arg3[%add3A, %dma_start3A_45, %dma_start3A_46] : memref<32x79x128xi32, #tpu.memory_space<hbm>> -> memref<1x79x128xi32, #tpu.memory_space<hbm>>
      %dma_start3A_48 = tpu.memref_squeeze %dma_start3A_47 : memref<1x79x128xi32, #tpu.memory_space<hbm>> -> memref<79x128xi32, #tpu.memory_space<hbm>>
      tpu.enqueue_dma source(%dma_start3A_48 : memref<79x128xi32, #tpu.memory_space<hbm>>) target(%arg6 : memref<79x128xi32, #tpu.memory_space<vmem>>) target_semaphore(%run_scoped3A : memref<!tpu.dma_semaphore, #tpu.memory_space<semaphore_mem>>)
      %dma_wait3A = arith.constant 0 : i32
      %dma_wait3A_49 = arith.constant 0 : i32
      %dma_wait3A_50 = tpu.memref_slice %arg3[%add3A, %dma_wait3A, %dma_wait3A_49] : memref<32x79x128xi32, #tpu.memory_space<hbm>> -> memref<1x79x128xi32, #tpu.memory_space<hbm>>
      %dma_wait3A_51 = tpu.memref_squeeze %dma_wait3A_50 : memref<1x79x128xi32, #tpu.memory_space<hbm>> -> memref<79x128xi32, #tpu.memory_space<hbm>>
      %dma_wait3A_52 = arith.constant 0 : i32
      %dma_wait3A_53 = arith.constant 0 : i32
      %dma_wait3A_54 = tpu.memref_slice %arg3[%add3A, %dma_wait3A_52, %dma_wait3A_53] : memref<32x79x128xi32, #tpu.memory_space<hbm>> -> memref<1x79x128xi32, #tpu.memory_space<hbm>>
      %dma_wait3A_55 = tpu.memref_squeeze %dma_wait3A_54 : memref<1x79x128xi32, #tpu.memory_space<hbm>> -> memref<79x128xi32, #tpu.memory_space<hbm>>
      tpu.wait_dma2 semaphore(%run_scoped3A : memref<!tpu.dma_semaphore, #tpu.memory_space<semaphore_mem>>) src(%dma_wait3A_55 : memref<79x128xi32, #tpu.memory_space<hbm>>) dst(%arg6 : memref<79x128xi32, #tpu.memory_space<vmem>>)
      tpu.yield
    }) : () -> ()
    "tpu.region"() ({
      %run_scoped3A = tpu.sem_alloc : memref<!tpu.dma_semaphore, #tpu.memory_space<semaphore_mem>>
      %dma_start3A = arith.constant 0 : i32
      %dma_start3A_42 = arith.constant 0 : i32
      %dma_start3A_43 = tpu.memref_slice %arg4[%add3A, %dma_start3A, %dma_start3A_42] : memref<32x79x128xi32, #tpu.memory_space<hbm>> -> memref<1x79x128xi32, #tpu.memory_space<hbm>>
      %dma_start3A_44 = tpu.memref_squeeze %dma_start3A_43 : memref<1x79x128xi32, #tpu.memory_space<hbm>> -> memref<79x128xi32, #tpu.memory_space<hbm>>
      %dma_start3A_45 = arith.constant 0 : i32
      %dma_start3A_46 = arith.constant 0 : i32
      %dma_start3A_47 = tpu.memref_slice %arg4[%add3A, %dma_start3A_45, %dma_start3A_46] : memref<32x79x128xi32, #tpu.memory_space<hbm>> -> memref<1x79x128xi32, #tpu.memory_space<hbm>>
      %dma_start3A_48 = tpu.memref_squeeze %dma_start3A_47 : memref<1x79x128xi32, #tpu.memory_space<hbm>> -> memref<79x128xi32, #tpu.memory_space<hbm>>
      tpu.enqueue_dma source(%dma_start3A_48 : memref<79x128xi32, #tpu.memory_space<hbm>>) target(%arg7 : memref<79x128xi32, #tpu.memory_space<vmem>>) target_semaphore(%run_scoped3A : memref<!tpu.dma_semaphore, #tpu.memory_space<semaphore_mem>>)
      %dma_wait3A = arith.constant 0 : i32
      %dma_wait3A_49 = arith.constant 0 : i32
      %dma_wait3A_50 = tpu.memref_slice %arg4[%add3A, %dma_wait3A, %dma_wait3A_49] : memref<32x79x128xi32, #tpu.memory_space<hbm>> -> memref<1x79x128xi32, #tpu.memory_space<hbm>>
      %dma_wait3A_51 = tpu.memref_squeeze %dma_wait3A_50 : memref<1x79x128xi32, #tpu.memory_space<hbm>> -> memref<79x128xi32, #tpu.memory_space<hbm>>
      %dma_wait3A_52 = arith.constant 0 : i32
      %dma_wait3A_53 = arith.constant 0 : i32
      %dma_wait3A_54 = tpu.memref_slice %arg4[%add3A, %dma_wait3A_52, %dma_wait3A_53] : memref<32x79x128xi32, #tpu.memory_space<hbm>> -> memref<1x79x128xi32, #tpu.memory_space<hbm>>
      %dma_wait3A_55 = tpu.memref_squeeze %dma_wait3A_54 : memref<1x79x128xi32, #tpu.memory_space<hbm>> -> memref<79x128xi32, #tpu.memory_space<hbm>>
      tpu.wait_dma2 semaphore(%run_scoped3A : memref<!tpu.dma_semaphore, #tpu.memory_space<semaphore_mem>>) src(%dma_wait3A_55 : memref<79x128xi32, #tpu.memory_space<hbm>>) dst(%arg7 : memref<79x128xi32, #tpu.memory_space<vmem>>)
      tpu.yield
    }) : () -> ()
    %scan3A_27 = arith.constant 0 : i32
    %scan3A_28 = arith.constant 0 : i32
    %scan3A_29 = arith.constant 79 : i32
    %scan3A_30 = arith.addi %scan3A_28, %scan3A_29 : i32
    %scan3A_31 = arith.constant 1 : i32
    %scan3A_32 = scf.for %scan3A_42 = %scan3A_28 to %scan3A_30 step %scan3A_31 iter_args(%scan3A_43 = %scan3A_27) -> (i32)  : i32 {
      %dma_start3A = arith.constant 0 : i32
      %dma_start3A_44 = tpu.memref_slice %arg6[%scan3A_42, %dma_start3A] : memref<79x128xi32, #tpu.memory_space<vmem>> -> memref<1x128xi32, #tpu.memory_space<vmem>>
      %dma_start3A_45 = tpu.memref_squeeze %dma_start3A_44 : memref<1x128xi32, #tpu.memory_space<vmem>> -> memref<128xi32, #tpu.memory_space<vmem>>
      %dma_start3A_46 = arith.constant 0 : i32
      %dma_start3A_47 = arith.constant 0 : i32
      %dma_start3A_48 = tpu.memref_slice %arg2[%dma_start3A_46, %dma_start3A_47] : memref<10000x128xf32, #tpu.memory_space<hbm>> -> memref<10000x128xf32, #tpu.memory_space<hbm>>
      tpu.enqueue_indirect_dma source(%dma_start3A_48 : memref<10000x128xf32, #tpu.memory_space<hbm>>) target(%arg8 : memref<128x128xf32, #tpu.memory_space<vmem>>) offsets(%dma_start3A_45 : memref<128xi32, #tpu.memory_space<vmem>>) semaphore(%arg10 : memref<!tpu.dma_semaphore, #tpu.memory_space<semaphore_mem>>)
      %dma_wait3A = arith.constant 0 : i32
      %dma_wait3A_49 = tpu.memref_slice %arg6[%scan3A_42, %dma_wait3A] : memref<79x128xi32, #tpu.memory_space<vmem>> -> memref<1x128xi32, #tpu.memory_space<vmem>>
      %dma_wait3A_50 = tpu.memref_squeeze %dma_wait3A_49 : memref<1x128xi32, #tpu.memory_space<vmem>> -> memref<128xi32, #tpu.memory_space<vmem>>
      %dma_wait3A_51 = arith.constant 0 : i32
      %dma_wait3A_52 = arith.constant 0 : i32
      %dma_wait3A_53 = tpu.memref_slice %arg2[%dma_wait3A_51, %dma_wait3A_52] : memref<10000x128xf32, #tpu.memory_space<hbm>> -> memref<10000x128xf32, #tpu.memory_space<hbm>>
      tpu.wait_indirect_dma semaphore(%arg10 : memref<!tpu.dma_semaphore, #tpu.memory_space<semaphore_mem>>) src(%dma_wait3A_53 : memref<10000x128xf32, #tpu.memory_space<hbm>>) dst(%arg8 : memref<128x128xf32, #tpu.memory_space<vmem>>)
      "tpu.region"() ({
        %run_scoped3A = tpu.sem_alloc : memref<!tpu.dma_semaphore, #tpu.memory_space<semaphore_mem>>
        %dma_start3A_55 = arith.constant 0 : i32
        %dma_start3A_56 = tpu.memref_slice %arg7[%scan3A_42, %dma_start3A_55] : memref<79x128xi32, #tpu.memory_space<vmem>> -> memref<1x128xi32, #tpu.memory_space<vmem>>
        %dma_start3A_57 = tpu.memref_squeeze %dma_start3A_56 : memref<1x128xi32, #tpu.memory_space<vmem>> -> memref<128xi32, #tpu.memory_space<vmem>>
        %dma_start3A_58 = arith.constant 0 : i32
        %dma_start3A_59 = arith.constant 0 : i32
        %dma_start3A_60 = tpu.memref_slice %arg9[%dma_start3A_58, %dma_start3A_59] : memref<10240x128xf32, #tpu.memory_space<vmem_shared>> -> memref<10240x128xf32, #tpu.memory_space<vmem_shared>>
        tpu.enqueue_indirect_dma source(%arg8 : memref<128x128xf32, #tpu.memory_space<vmem>>) target(%dma_start3A_60 : memref<10240x128xf32, #tpu.memory_space<vmem_shared>>) offsets(%dma_start3A_57 : memref<128xi32, #tpu.memory_space<vmem>>) semaphore(%run_scoped3A : memref<!tpu.dma_semaphore, #tpu.memory_space<semaphore_mem>>) {add = true}
        %dma_wait3A_61 = arith.constant 0 : i32
        %dma_wait3A_62 = tpu.memref_slice %arg7[%scan3A_42, %dma_wait3A_61] : memref<79x128xi32, #tpu.memory_space<vmem>> -> memref<1x128xi32, #tpu.memory_space<vmem>>
        %dma_wait3A_63 = tpu.memref_squeeze %dma_wait3A_62 : memref<1x128xi32, #tpu.memory_space<vmem>> -> memref<128xi32, #tpu.memory_space<vmem>>
        %dma_wait3A_64 = arith.constant 0 : i32
        %dma_wait3A_65 = arith.constant 0 : i32
        %dma_wait3A_66 = tpu.memref_slice %arg9[%dma_wait3A_64, %dma_wait3A_65] : memref<10240x128xf32, #tpu.memory_space<vmem_shared>> -> memref<10240x128xf32, #tpu.memory_space<vmem_shared>>
        tpu.wait_indirect_dma semaphore(%run_scoped3A : memref<!tpu.dma_semaphore, #tpu.memory_space<semaphore_mem>>) src(%arg8 : memref<128x128xf32, #tpu.memory_space<vmem>>) dst(%dma_wait3A_66 : memref<10240x128xf32, #tpu.memory_space<vmem_shared>>)
        tpu.yield
      }) : () -> ()
      %scan3A_54 = arith.constant 0 : i32
      scf.yield %scan3A_54 : i32
    }
    %scan3A_33 = arith.constant 79 : i32
    %barrier3A_34 = arith.constant 0 : index
    tpu.barrier barrier_id(%barrier3A_34)
    %mul3A_35 = arith.constant 10240 : i32
    %mul3A_36 = arith.muli %arg0, %mul3A_35 : i32
    %mul3A_37 = arith.constant 640 : i32
    %mul3A_38 = arith.muli %arg1, %mul3A_37 : i32
    %add3A_39 = arith.addi %mul3A_36, %mul3A_38 : i32
    %mul3A_40 = arith.constant 640 : i32
    %mul3A_41 = arith.muli %arg1, %mul3A_40 : i32
    "tpu.region"() ({
      %run_scoped3A = tpu.sem_alloc : memref<!tpu.dma_semaphore, #tpu.memory_space<semaphore_mem>>
      %dma_start3A = arith.constant 0 : i32
      %dma_start3A_42 = tpu.memref_slice %arg5[%add3A_39, %dma_start3A] : memref<20480x128xf32, #tpu.memory_space<hbm>> -> memref<640x128xf32, #tpu.memory_space<hbm>>
      %dma_start3A_43 = arith.constant 0 : i32
      %dma_start3A_44 = tpu.memref_slice %arg9[%mul3A_41, %dma_start3A_43] : memref<10240x128xf32, #tpu.memory_space<vmem_shared>> -> memref<640x128xf32, #tpu.memory_space<vmem_shared>>
      tpu.enqueue_dma source(%dma_start3A_44 : memref<640x128xf32, #tpu.memory_space<vmem_shared>>) target(%dma_start3A_42 : memref<640x128xf32, #tpu.memory_space<hbm>>) target_semaphore(%run_scoped3A : memref<!tpu.dma_semaphore, #tpu.memory_space<semaphore_mem>>)
      %dma_wait3A = arith.constant 0 : i32
      %dma_wait3A_45 = tpu.memref_slice %arg5[%add3A_39, %dma_wait3A] : memref<20480x128xf32, #tpu.memory_space<hbm>> -> memref<640x128xf32, #tpu.memory_space<hbm>>
      %dma_wait3A_46 = arith.constant 0 : i32
      %dma_wait3A_47 = tpu.memref_slice %arg9[%mul3A_41, %dma_wait3A_46] : memref<10240x128xf32, #tpu.memory_space<vmem_shared>> -> memref<640x128xf32, #tpu.memory_space<vmem_shared>>
      tpu.wait_dma2 semaphore(%run_scoped3A : memref<!tpu.dma_semaphore, #tpu.memory_space<semaphore_mem>>) src(%dma_wait3A_47 : memref<640x128xf32, #tpu.memory_space<vmem_shared>>) dst(%dma_wait3A_45 : memref<640x128xf32, #tpu.memory_space<hbm>>)
      tpu.yield
    }) : () -> ()
    return
  }
}

#map = affine_map<(d0, d1) -> (0, 0)>
#map1 = affine_map<(d0, d1) -> (0, 0, 0)>
module attributes {stable_mosaic.version = 14 : i64} {
  func.func @agg_kernel(%arg0: i32, %arg1: i32, %arg2: memref<10000x128xf32, #tpu.memory_space<hbm>>, %arg3: memref<32x79x128xi32, #tpu.memory_space<hbm>>, %arg4: memref<32x79x128xi32, #tpu.memory_space<hbm>>, %arg5: memref<20480x128xf32, #tpu.memory_space<hbm>>, %arg6: memref<79x128xi32, #tpu.memory_space<vmem>>, %arg7: memref<79x128xi32, #tpu.memory_space<vmem>>, %arg8: memref<128x128xf32, #tpu.memory_space<vmem>>, %arg9: memref<10240x128xf32, #tpu.memory_space<vmem_shared>>, %arg10: memref<!tpu.dma_semaphore, #tpu.memory_space<semaphore_mem>>) attributes {dimension_semantics = [#tpu.dimension_semantics<core_parallel>, #tpu.dimension_semantics<subcore_parallel>], iteration_bounds = array<i64: 2, 16>, scalar_prefetch = 0 : i64, scratch_operands = 5 : i64, tpu.core_type = #tpu.core_type<sc_vector_subcore>, window_params = [{transform_indices = #map}, {transform_indices = #map1}, {transform_indices = #map1}, {transform_indices = #map}]} {
    %mul3A = arith.constant 2 : i32
    %mul3A_0 = arith.muli %arg1, %mul3A : i32
    %add3A = arith.addi %mul3A_0, %arg0 : i32
    %scan3A = arith.constant 0 : i32
    %scan3A_1 = arith.constant 0 : i32
    %scan3A_2 = arith.constant 128 : i32
    %scan3A_3 = arith.addi %scan3A_1, %scan3A_2 : i32
    %scan3A_4 = arith.constant 1 : i32
    %scan3A_5 = scf.for %scan3A_42 = %scan3A_1 to %scan3A_3 step %scan3A_4 iter_args(%scan3A_43 = %scan3A) -> (i32)  : i32 {
      %scan3A_44 = arith.constant 0 : i32
      %scan3A_45 = arith.constant 0 : i32
      %scan3A_46 = arith.constant 8 : i32
      %scan3A_47 = arith.addi %scan3A_45, %scan3A_46 : i32
      %scan3A_48 = arith.constant 1 : i32
      %scan3A_49 = scf.for %scan3A_51 = %scan3A_45 to %scan3A_47 step %scan3A_48 iter_args(%scan3A_52 = %scan3A_44) -> (i32)  : i32 {
        %broadcast_in_dim3A = arith.constant 0.000000e+00 : f32
        %broadcast_in_dim3A_53 = vector.broadcast %broadcast_in_dim3A : f32 to vector<16xf32>
        %mul3A_54 = arith.constant 16 : i32
        %mul3A_55 = arith.muli %scan3A_51, %mul3A_54 : i32
        %swap3A = arith.index_cast %scan3A_42 : i32 to index
        %swap3A_56 = arith.index_cast %mul3A_55 : i32 to index
        %swap3A_57 = tpu.vector_load %arg8[%swap3A, %swap3A_56] {strides = array<i32>} : memref<128x128xf32, #tpu.memory_space<vmem>>, vector<1x16xf32>,
        %swap3A_58 = vector.shape_cast %swap3A_57 : vector<1x16xf32> to vector<16xf32>
        %swap3A_59 = vector.shape_cast %broadcast_in_dim3A_53 : vector<16xf32> to vector<1x16xf32>
        tpu.vector_store %arg8[%swap3A, %swap3A_56], %swap3A_59 {strides = array<i32>} : memref<128x128xf32, #tpu.memory_space<vmem>>, vector<1x16xf32>,
        %scan3A_60 = arith.constant 0 : i32
        scf.yield %scan3A_60 : i32
      }
      %scan3A_50 = arith.constant 8 : i32
      scf.yield %scan3A_49 : i32
    }
    %scan3A_6 = arith.constant 128 : i32
    %mul3A_7 = arith.constant 640 : i32
    %mul3A_8 = arith.muli %arg1, %mul3A_7 : i32
    %add3A_9 = arith.constant 0 : i32
    %add3A_10 = arith.addi %mul3A_8, %add3A_9 : i32
    "tpu.region"() ({
      %run_scoped3A = tpu.sem_alloc : memref<!tpu.dma_semaphore, #tpu.memory_space<semaphore_mem>>
      %dma_start3A = arith.constant 0 : i32
      %dma_start3A_42 = tpu.memref_slice %arg9[%add3A_10, %dma_start3A] : memref<10240x128xf32, #tpu.memory_space<vmem_shared>> -> memref<128x128xf32, #tpu.memory_space<vmem_shared>>
      %dma_start3A_43 = arith.constant 0 : i32
      %dma_start3A_44 = tpu.memref_slice %arg9[%add3A_10, %dma_start3A_43] : memref<10240x128xf32, #tpu.memory_space<vmem_shared>> -> memref<128x128xf32, #tpu.memory_space<vmem_shared>>
      tpu.enqueue_dma source(%arg8 : memref<128x128xf32, #tpu.memory_space<vmem>>) target(%dma_start3A_44 : memref<128x128xf32, #tpu.memory_space<vmem_shared>>) target_semaphore(%run_scoped3A : memref<!tpu.dma_semaphore, #tpu.memory_space<semaphore_mem>>)
      %dma_wait3A = arith.constant 0 : i32
      %dma_wait3A_45 = tpu.memref_slice %arg9[%add3A_10, %dma_wait3A] : memref<10240x128xf32, #tpu.memory_space<vmem_shared>> -> memref<128x128xf32, #tpu.memory_space<vmem_shared>>
      %dma_wait3A_46 = arith.constant 0 : i32
      %dma_wait3A_47 = tpu.memref_slice %arg9[%add3A_10, %dma_wait3A_46] : memref<10240x128xf32, #tpu.memory_space<vmem_shared>> -> memref<128x128xf32, #tpu.memory_space<vmem_shared>>
      tpu.wait_dma2 semaphore(%run_scoped3A : memref<!tpu.dma_semaphore, #tpu.memory_space<semaphore_mem>>) src(%arg8 : memref<128x128xf32, #tpu.memory_space<vmem>>) dst(%dma_wait3A_47 : memref<128x128xf32, #tpu.memory_space<vmem_shared>>)
      tpu.yield
    }) : () -> ()
    %mul3A_11 = arith.constant 640 : i32
    %mul3A_12 = arith.muli %arg1, %mul3A_11 : i32
    %add3A_13 = arith.constant 128 : i32
    %add3A_14 = arith.addi %mul3A_12, %add3A_13 : i32
    "tpu.region"() ({
      %run_scoped3A = tpu.sem_alloc : memref<!tpu.dma_semaphore, #tpu.memory_space<semaphore_mem>>
      %dma_start3A = arith.constant 0 : i32
      %dma_start3A_42 = tpu.memref_slice %arg9[%add3A_14, %dma_start3A] : memref<10240x128xf32, #tpu.memory_space<vmem_shared>> -> memref<128x128xf32, #tpu.memory_space<vmem_shared>>
      %dma_start3A_43 = arith.constant 0 : i32
      %dma_start3A_44 = tpu.memref_slice %arg9[%add3A_14, %dma_start3A_43] : memref<10240x128xf32, #tpu.memory_space<vmem_shared>> -> memref<128x128xf32, #tpu.memory_space<vmem_shared>>
      tpu.enqueue_dma source(%arg8 : memref<128x128xf32, #tpu.memory_space<vmem>>) target(%dma_start3A_44 : memref<128x128xf32, #tpu.memory_space<vmem_shared>>) target_semaphore(%run_scoped3A : memref<!tpu.dma_semaphore, #tpu.memory_space<semaphore_mem>>)
      %dma_wait3A = arith.constant 0 : i32
      %dma_wait3A_45 = tpu.memref_slice %arg9[%add3A_14, %dma_wait3A] : memref<10240x128xf32, #tpu.memory_space<vmem_shared>> -> memref<128x128xf32, #tpu.memory_space<vmem_shared>>
      %dma_wait3A_46 = arith.constant 0 : i32
      %dma_wait3A_47 = tpu.memref_slice %arg9[%add3A_14, %dma_wait3A_46] : memref<10240x128xf32, #tpu.memory_space<vmem_shared>> -> memref<128x128xf32, #tpu.memory_space<vmem_shared>>
      tpu.wait_dma2 semaphore(%run_scoped3A : memref<!tpu.dma_semaphore, #tpu.memory_space<semaphore_mem>>) src(%arg8 : memref<128x128xf32, #tpu.memory_space<vmem>>) dst(%dma_wait3A_47 : memref<128x128xf32, #tpu.memory_space<vmem_shared>>)
      tpu.yield
    }) : () -> ()
    %mul3A_15 = arith.constant 640 : i32
    %mul3A_16 = arith.muli %arg1, %mul3A_15 : i32
    %add3A_17 = arith.constant 256 : i32
    %add3A_18 = arith.addi %mul3A_16, %add3A_17 : i32
    "tpu.region"() ({
      %run_scoped3A = tpu.sem_alloc : memref<!tpu.dma_semaphore, #tpu.memory_space<semaphore_mem>>
      %dma_start3A = arith.constant 0 : i32
      %dma_start3A_42 = tpu.memref_slice %arg9[%add3A_18, %dma_start3A] : memref<10240x128xf32, #tpu.memory_space<vmem_shared>> -> memref<128x128xf32, #tpu.memory_space<vmem_shared>>
      %dma_start3A_43 = arith.constant 0 : i32
      %dma_start3A_44 = tpu.memref_slice %arg9[%add3A_18, %dma_start3A_43] : memref<10240x128xf32, #tpu.memory_space<vmem_shared>> -> memref<128x128xf32, #tpu.memory_space<vmem_shared>>
      tpu.enqueue_dma source(%arg8 : memref<128x128xf32, #tpu.memory_space<vmem>>) target(%dma_start3A_44 : memref<128x128xf32, #tpu.memory_space<vmem_shared>>) target_semaphore(%run_scoped3A : memref<!tpu.dma_semaphore, #tpu.memory_space<semaphore_mem>>)
      %dma_wait3A = arith.constant 0 : i32
      %dma_wait3A_45 = tpu.memref_slice %arg9[%add3A_18, %dma_wait3A] : memref<10240x128xf32, #tpu.memory_space<vmem_shared>> -> memref<128x128xf32, #tpu.memory_space<vmem_shared>>
      %dma_wait3A_46 = arith.constant 0 : i32
      %dma_wait3A_47 = tpu.memref_slice %arg9[%add3A_18, %dma_wait3A_46] : memref<10240x128xf32, #tpu.memory_space<vmem_shared>> -> memref<128x128xf32, #tpu.memory_space<vmem_shared>>
      tpu.wait_dma2 semaphore(%run_scoped3A : memref<!tpu.dma_semaphore, #tpu.memory_space<semaphore_mem>>) src(%arg8 : memref<128x128xf32, #tpu.memory_space<vmem>>) dst(%dma_wait3A_47 : memref<128x128xf32, #tpu.memory_space<vmem_shared>>)
      tpu.yield
    }) : () -> ()
    %mul3A_19 = arith.constant 640 : i32
    %mul3A_20 = arith.muli %arg1, %mul3A_19 : i32
    %add3A_21 = arith.constant 384 : i32
    %add3A_22 = arith.addi %mul3A_20, %add3A_21 : i32
    "tpu.region"() ({
      %run_scoped3A = tpu.sem_alloc : memref<!tpu.dma_semaphore, #tpu.memory_space<semaphore_mem>>
      %dma_start3A = arith.constant 0 : i32
      %dma_start3A_42 = tpu.memref_slice %arg9[%add3A_22, %dma_start3A] : memref<10240x128xf32, #tpu.memory_space<vmem_shared>> -> memref<128x128xf32, #tpu.memory_space<vmem_shared>>
      %dma_start3A_43 = arith.constant 0 : i32
      %dma_start3A_44 = tpu.memref_slice %arg9[%add3A_22, %dma_start3A_43] : memref<10240x128xf32, #tpu.memory_space<vmem_shared>> -> memref<128x128xf32, #tpu.memory_space<vmem_shared>>
      tpu.enqueue_dma source(%arg8 : memref<128x128xf32, #tpu.memory_space<vmem>>) target(%dma_start3A_44 : memref<128x128xf32, #tpu.memory_space<vmem_shared>>) target_semaphore(%run_scoped3A : memref<!tpu.dma_semaphore, #tpu.memory_space<semaphore_mem>>)
      %dma_wait3A = arith.constant 0 : i32
      %dma_wait3A_45 = tpu.memref_slice %arg9[%add3A_22, %dma_wait3A] : memref<10240x128xf32, #tpu.memory_space<vmem_shared>> -> memref<128x128xf32, #tpu.memory_space<vmem_shared>>
      %dma_wait3A_46 = arith.constant 0 : i32
      %dma_wait3A_47 = tpu.memref_slice %arg9[%add3A_22, %dma_wait3A_46] : memref<10240x128xf32, #tpu.memory_space<vmem_shared>> -> memref<128x128xf32, #tpu.memory_space<vmem_shared>>
      tpu.wait_dma2 semaphore(%run_scoped3A : memref<!tpu.dma_semaphore, #tpu.memory_space<semaphore_mem>>) src(%arg8 : memref<128x128xf32, #tpu.memory_space<vmem>>) dst(%dma_wait3A_47 : memref<128x128xf32, #tpu.memory_space<vmem_shared>>)
      tpu.yield
    }) : () -> ()
    %mul3A_23 = arith.constant 640 : i32
    %mul3A_24 = arith.muli %arg1, %mul3A_23 : i32
    %add3A_25 = arith.constant 512 : i32
    %add3A_26 = arith.addi %mul3A_24, %add3A_25 : i32
    "tpu.region"() ({
      %run_scoped3A = tpu.sem_alloc : memref<!tpu.dma_semaphore, #tpu.memory_space<semaphore_mem>>
      %dma_start3A = arith.constant 0 : i32
      %dma_start3A_42 = tpu.memref_slice %arg9[%add3A_26, %dma_start3A] : memref<10240x128xf32, #tpu.memory_space<vmem_shared>> -> memref<128x128xf32, #tpu.memory_space<vmem_shared>>
      %dma_start3A_43 = arith.constant 0 : i32
      %dma_start3A_44 = tpu.memref_slice %arg9[%add3A_26, %dma_start3A_43] : memref<10240x128xf32, #tpu.memory_space<vmem_shared>> -> memref<128x128xf32, #tpu.memory_space<vmem_shared>>
      tpu.enqueue_dma source(%arg8 : memref<128x128xf32, #tpu.memory_space<vmem>>) target(%dma_start3A_44 : memref<128x128xf32, #tpu.memory_space<vmem_shared>>) target_semaphore(%run_scoped3A : memref<!tpu.dma_semaphore, #tpu.memory_space<semaphore_mem>>)
      %dma_wait3A = arith.constant 0 : i32
      %dma_wait3A_45 = tpu.memref_slice %arg9[%add3A_26, %dma_wait3A] : memref<10240x128xf32, #tpu.memory_space<vmem_shared>> -> memref<128x128xf32, #tpu.memory_space<vmem_shared>>
      %dma_wait3A_46 = arith.constant 0 : i32
      %dma_wait3A_47 = tpu.memref_slice %arg9[%add3A_26, %dma_wait3A_46] : memref<10240x128xf32, #tpu.memory_space<vmem_shared>> -> memref<128x128xf32, #tpu.memory_space<vmem_shared>>
      tpu.wait_dma2 semaphore(%run_scoped3A : memref<!tpu.dma_semaphore, #tpu.memory_space<semaphore_mem>>) src(%arg8 : memref<128x128xf32, #tpu.memory_space<vmem>>) dst(%dma_wait3A_47 : memref<128x128xf32, #tpu.memory_space<vmem_shared>>)
      tpu.yield
    }) : () -> ()
    %barrier3A = arith.constant 0 : index
    tpu.barrier barrier_id(%barrier3A)
    "tpu.region"() ({
      %run_scoped3A = tpu.sem_alloc : memref<!tpu.dma_semaphore, #tpu.memory_space<semaphore_mem>>
      %dma_start3A = arith.constant 0 : i32
      %dma_start3A_42 = arith.constant 0 : i32
      %dma_start3A_43 = tpu.memref_slice %arg3[%add3A, %dma_start3A, %dma_start3A_42] : memref<32x79x128xi32, #tpu.memory_space<hbm>> -> memref<1x79x128xi32, #tpu.memory_space<hbm>>
      %dma_start3A_44 = tpu.memref_squeeze %dma_start3A_43 : memref<1x79x128xi32, #tpu.memory_space<hbm>> -> memref<79x128xi32, #tpu.memory_space<hbm>>
      %dma_start3A_45 = arith.constant 0 : i32
      %dma_start3A_46 = arith.constant 0 : i32
      %dma_start3A_47 = tpu.memref_slice %arg3[%add3A, %dma_start3A_45, %dma_start3A_46] : memref<32x79x128xi32, #tpu.memory_space<hbm>> -> memref<1x79x128xi32, #tpu.memory_space<hbm>>
      %dma_start3A_48 = tpu.memref_squeeze %dma_start3A_47 : memref<1x79x128xi32, #tpu.memory_space<hbm>> -> memref<79x128xi32, #tpu.memory_space<hbm>>
      tpu.enqueue_dma source(%dma_start3A_48 : memref<79x128xi32, #tpu.memory_space<hbm>>) target(%arg6 : memref<79x128xi32, #tpu.memory_space<vmem>>) target_semaphore(%run_scoped3A : memref<!tpu.dma_semaphore, #tpu.memory_space<semaphore_mem>>)
      %dma_wait3A = arith.constant 0 : i32
      %dma_wait3A_49 = arith.constant 0 : i32
      %dma_wait3A_50 = tpu.memref_slice %arg3[%add3A, %dma_wait3A, %dma_wait3A_49] : memref<32x79x128xi32, #tpu.memory_space<hbm>> -> memref<1x79x128xi32, #tpu.memory_space<hbm>>
      %dma_wait3A_51 = tpu.memref_squeeze %dma_wait3A_50 : memref<1x79x128xi32, #tpu.memory_space<hbm>> -> memref<79x128xi32, #tpu.memory_space<hbm>>
      %dma_wait3A_52 = arith.constant 0 : i32
      %dma_wait3A_53 = arith.constant 0 : i32
      %dma_wait3A_54 = tpu.memref_slice %arg3[%add3A, %dma_wait3A_52, %dma_wait3A_53] : memref<32x79x128xi32, #tpu.memory_space<hbm>> -> memref<1x79x128xi32, #tpu.memory_space<hbm>>
      %dma_wait3A_55 = tpu.memref_squeeze %dma_wait3A_54 : memref<1x79x128xi32, #tpu.memory_space<hbm>> -> memref<79x128xi32, #tpu.memory_space<hbm>>
      tpu.wait_dma2 semaphore(%run_scoped3A : memref<!tpu.dma_semaphore, #tpu.memory_space<semaphore_mem>>) src(%dma_wait3A_55 : memref<79x128xi32, #tpu.memory_space<hbm>>) dst(%arg6 : memref<79x128xi32, #tpu.memory_space<vmem>>)
      tpu.yield
    }) : () -> ()
    "tpu.region"() ({
      %run_scoped3A = tpu.sem_alloc : memref<!tpu.dma_semaphore, #tpu.memory_space<semaphore_mem>>
      %dma_start3A = arith.constant 0 : i32
      %dma_start3A_42 = arith.constant 0 : i32
      %dma_start3A_43 = tpu.memref_slice %arg4[%add3A, %dma_start3A, %dma_start3A_42] : memref<32x79x128xi32, #tpu.memory_space<hbm>> -> memref<1x79x128xi32, #tpu.memory_space<hbm>>
      %dma_start3A_44 = tpu.memref_squeeze %dma_start3A_43 : memref<1x79x128xi32, #tpu.memory_space<hbm>> -> memref<79x128xi32, #tpu.memory_space<hbm>>
      %dma_start3A_45 = arith.constant 0 : i32
      %dma_start3A_46 = arith.constant 0 : i32
      %dma_start3A_47 = tpu.memref_slice %arg4[%add3A, %dma_start3A_45, %dma_start3A_46] : memref<32x79x128xi32, #tpu.memory_space<hbm>> -> memref<1x79x128xi32, #tpu.memory_space<hbm>>
      %dma_start3A_48 = tpu.memref_squeeze %dma_start3A_47 : memref<1x79x128xi32, #tpu.memory_space<hbm>> -> memref<79x128xi32, #tpu.memory_space<hbm>>
      tpu.enqueue_dma source(%dma_start3A_48 : memref<79x128xi32, #tpu.memory_space<hbm>>) target(%arg7 : memref<79x128xi32, #tpu.memory_space<vmem>>) target_semaphore(%run_scoped3A : memref<!tpu.dma_semaphore, #tpu.memory_space<semaphore_mem>>)
      %dma_wait3A = arith.constant 0 : i32
      %dma_wait3A_49 = arith.constant 0 : i32
      %dma_wait3A_50 = tpu.memref_slice %arg4[%add3A, %dma_wait3A, %dma_wait3A_49] : memref<32x79x128xi32, #tpu.memory_space<hbm>> -> memref<1x79x128xi32, #tpu.memory_space<hbm>>
      %dma_wait3A_51 = tpu.memref_squeeze %dma_wait3A_50 : memref<1x79x128xi32, #tpu.memory_space<hbm>> -> memref<79x128xi32, #tpu.memory_space<hbm>>
      %dma_wait3A_52 = arith.constant 0 : i32
      %dma_wait3A_53 = arith.constant 0 : i32
      %dma_wait3A_54 = tpu.memref_slice %arg4[%add3A, %dma_wait3A_52, %dma_wait3A_53] : memref<32x79x128xi32, #tpu.memory_space<hbm>> -> memref<1x79x128xi32, #tpu.memory_space<hbm>>
      %dma_wait3A_55 = tpu.memref_squeeze %dma_wait3A_54 : memref<1x79x128xi32, #tpu.memory_space<hbm>> -> memref<79x128xi32, #tpu.memory_space<hbm>>
      tpu.wait_dma2 semaphore(%run_scoped3A : memref<!tpu.dma_semaphore, #tpu.memory_space<semaphore_mem>>) src(%dma_wait3A_55 : memref<79x128xi32, #tpu.memory_space<hbm>>) dst(%arg7 : memref<79x128xi32, #tpu.memory_space<vmem>>)
      tpu.yield
    }) : () -> ()
    %scan3A_27 = arith.constant 0 : i32
    %scan3A_28 = arith.constant 0 : i32
    %scan3A_29 = arith.constant 79 : i32
    %scan3A_30 = arith.addi %scan3A_28, %scan3A_29 : i32
    %scan3A_31 = arith.constant 1 : i32
    %scan3A_32 = scf.for %scan3A_42 = %scan3A_28 to %scan3A_30 step %scan3A_31 iter_args(%scan3A_43 = %scan3A_27) -> (i32)  : i32 {
      %dma_start3A = arith.constant 0 : i32
      %dma_start3A_44 = tpu.memref_slice %arg6[%scan3A_42, %dma_start3A] : memref<79x128xi32, #tpu.memory_space<vmem>> -> memref<1x128xi32, #tpu.memory_space<vmem>>
      %dma_start3A_45 = tpu.memref_squeeze %dma_start3A_44 : memref<1x128xi32, #tpu.memory_space<vmem>> -> memref<128xi32, #tpu.memory_space<vmem>>
      %dma_start3A_46 = arith.constant 0 : i32
      %dma_start3A_47 = arith.constant 0 : i32
      %dma_start3A_48 = tpu.memref_slice %arg2[%dma_start3A_46, %dma_start3A_47] : memref<10000x128xf32, #tpu.memory_space<hbm>> -> memref<10000x128xf32, #tpu.memory_space<hbm>>
      tpu.enqueue_indirect_dma source(%dma_start3A_48 : memref<10000x128xf32, #tpu.memory_space<hbm>>) target(%arg8 : memref<128x128xf32, #tpu.memory_space<vmem>>) offsets(%dma_start3A_45 : memref<128xi32, #tpu.memory_space<vmem>>) semaphore(%arg10 : memref<!tpu.dma_semaphore, #tpu.memory_space<semaphore_mem>>)
      %dma_wait3A = arith.constant 0 : i32
      %dma_wait3A_49 = tpu.memref_slice %arg6[%scan3A_42, %dma_wait3A] : memref<79x128xi32, #tpu.memory_space<vmem>> -> memref<1x128xi32, #tpu.memory_space<vmem>>
      %dma_wait3A_50 = tpu.memref_squeeze %dma_wait3A_49 : memref<1x128xi32, #tpu.memory_space<vmem>> -> memref<128xi32, #tpu.memory_space<vmem>>
      %dma_wait3A_51 = arith.constant 0 : i32
      %dma_wait3A_52 = arith.constant 0 : i32
      %dma_wait3A_53 = tpu.memref_slice %arg2[%dma_wait3A_51, %dma_wait3A_52] : memref<10000x128xf32, #tpu.memory_space<hbm>> -> memref<10000x128xf32, #tpu.memory_space<hbm>>
      tpu.wait_indirect_dma semaphore(%arg10 : memref<!tpu.dma_semaphore, #tpu.memory_space<semaphore_mem>>) src(%dma_wait3A_53 : memref<10000x128xf32, #tpu.memory_space<hbm>>) dst(%arg8 : memref<128x128xf32, #tpu.memory_space<vmem>>)
      "tpu.region"() ({
        %run_scoped3A = tpu.sem_alloc : memref<!tpu.dma_semaphore, #tpu.memory_space<semaphore_mem>>
        %dma_start3A_55 = arith.constant 0 : i32
        %dma_start3A_56 = tpu.memref_slice %arg7[%scan3A_42, %dma_start3A_55] : memref<79x128xi32, #tpu.memory_space<vmem>> -> memref<1x128xi32, #tpu.memory_space<vmem>>
        %dma_start3A_57 = tpu.memref_squeeze %dma_start3A_56 : memref<1x128xi32, #tpu.memory_space<vmem>> -> memref<128xi32, #tpu.memory_space<vmem>>
        %dma_start3A_58 = arith.constant 0 : i32
        %dma_start3A_59 = arith.constant 0 : i32
        %dma_start3A_60 = tpu.memref_slice %arg9[%dma_start3A_58, %dma_start3A_59] : memref<10240x128xf32, #tpu.memory_space<vmem_shared>> -> memref<10240x128xf32, #tpu.memory_space<vmem_shared>>
        tpu.enqueue_indirect_dma source(%arg8 : memref<128x128xf32, #tpu.memory_space<vmem>>) target(%dma_start3A_60 : memref<10240x128xf32, #tpu.memory_space<vmem_shared>>) offsets(%dma_start3A_57 : memref<128xi32, #tpu.memory_space<vmem>>) semaphore(%run_scoped3A : memref<!tpu.dma_semaphore, #tpu.memory_space<semaphore_mem>>) {add = true}
        %dma_wait3A_61 = arith.constant 0 : i32
        %dma_wait3A_62 = tpu.memref_slice %arg7[%scan3A_42, %dma_wait3A_61] : memref<79x128xi32, #tpu.memory_space<vmem>> -> memref<1x128xi32, #tpu.memory_space<vmem>>
        %dma_wait3A_63 = tpu.memref_squeeze %dma_wait3A_62 : memref<1x128xi32, #tpu.memory_space<vmem>> -> memref<128xi32, #tpu.memory_space<vmem>>
        %dma_wait3A_64 = arith.constant 0 : i32
        %dma_wait3A_65 = arith.constant 0 : i32
        %dma_wait3A_66 = tpu.memref_slice %arg9[%dma_wait3A_64, %dma_wait3A_65] : memref<10240x128xf32, #tpu.memory_space<vmem_shared>> -> memref<10240x128xf32, #tpu.memory_space<vmem_shared>>
        tpu.wait_indirect_dma semaphore(%run_scoped3A : memref<!tpu.dma_semaphore, #tpu.memory_space<semaphore_mem>>) src(%arg8 : memref<128x128xf32, #tpu.memory_space<vmem>>) dst(%dma_wait3A_66 : memref<10240x128xf32, #tpu.memory_space<vmem_shared>>)
        tpu.yield
      }) : () -> ()
      %scan3A_54 = arith.constant 0 : i32
      scf.yield %scan3A_54 : i32
    }
    %scan3A_33 = arith.constant 79 : i32
    %barrier3A_34 = arith.constant 0 : index
    tpu.barrier barrier_id(%barrier3A_34)
    %mul3A_35 = arith.constant 10240 : i32
    %mul3A_36 = arith.muli %arg0, %mul3A_35 : i32
    %mul3A_37 = arith.constant 640 : i32
    %mul3A_38 = arith.muli %arg1, %mul3A_37 : i32
    %add3A_39 = arith.addi %mul3A_36, %mul3A_38 : i32
    %mul3A_40 = arith.constant 640 : i32
    %mul3A_41 = arith.muli %arg1, %mul3A_40 : i32
    "tpu.region"() ({
      %run_scoped3A = tpu.sem_alloc : memref<!tpu.dma_semaphore, #tpu.memory_space<semaphore_mem>>
      %dma_start3A = arith.constant 0 : i32
      %dma_start3A_42 = tpu.memref_slice %arg5[%add3A_39, %dma_start3A] : memref<20480x128xf32, #tpu.memory_space<hbm>> -> memref<640x128xf32, #tpu.memory_space<hbm>>
      %dma_start3A_43 = arith.constant 0 : i32
      %dma_start3A_44 = tpu.memref_slice %arg9[%mul3A_41, %dma_start3A_43] : memref<10240x128xf32, #tpu.memory_space<vmem_shared>> -> memref<640x128xf32, #tpu.memory_space<vmem_shared>>
      tpu.enqueue_dma source(%dma_start3A_44 : memref<640x128xf32, #tpu.memory_space<vmem_shared>>) target(%dma_start3A_42 : memref<640x128xf32, #tpu.memory_space<hbm>>) target_semaphore(%run_scoped3A : memref<!tpu.dma_semaphore, #tpu.memory_space<semaphore_mem>>)
      %dma_wait3A = arith.constant 0 : i32
      %dma_wait3A_45 = tpu.memref_slice %arg5[%add3A_39, %dma_wait3A] : memref<20480x128xf32, #tpu.memory_space<hbm>> -> memref<640x128xf32, #tpu.memory_space<hbm>>
      %dma_wait3A_46 = arith.constant 0 : i32
      %dma_wait3A_47 = tpu.memref_slice %arg9[%mul3A_41, %dma_wait3A_46] : memref<10240x128xf32, #tpu.memory_space<vmem_shared>> -> memref<640x128xf32, #tpu.memory_space<vmem_shared>>
      tpu.wait_dma2 semaphore(%run_scoped3A : memref<!tpu.dma_semaphore, #tpu.memory_space<semaphore_mem>>) src(%dma_wait3A_47 : memref<640x128xf32, #tpu.memory_space<vmem_shared>>) dst(%dma_wait3A_45 : memref<640x128xf32, #tpu.memory_space<hbm>>)
      tpu.yield
    }) : () -> ()
    return
  }
}

module attributes {stable_mosaic.version = 14 : i64} {
  func.func @_tc_a_body(%arg0: i32, %arg1: memref<1000x128xf32, #tpu.memory_space<vmem>>, %arg2: memref<128x128xf32, #tpu.memory_space<vmem>>, %arg3: memref<1000x16xf32, #tpu.memory_space<vmem>>, %arg4: memref<1000x16xf32, #tpu.memory_space<vmem>>, %arg5: memref<1000x128xf32, #tpu.memory_space<vmem>>) attributes {dimension_semantics = [#tpu.dimension_semantics<arbitrary>], iteration_bounds = array<i64: 10>, scalar_prefetch = 0 : i64, scratch_operands = 0 : i64, tpu.core_type = #tpu.core_type<tc>, window_params = [{transform_indices = @transform_0, window_bounds = array<i64: 1000, 128>}, {pipeline_mode = #tpu.pipeline_mode<synchronous>, transform_indices = @transform_1, window_bounds = array<i64: 128, 128>}, {transform_indices = @transform_2, window_bounds = array<i64: 1000, 16>}, {transform_indices = @transform_3, window_bounds = array<i64: 1000, 16>}, {transform_indices = @transform_4, window_bounds = array<i64: 1000, 128>}]} {
    %get3A = arith.constant 0 : index
    %get3A_0 = arith.constant 0 : index
    %get3A_1 = vector.load %arg3[%get3A, %get3A_0] : memref<1000x16xf32, #tpu.memory_space<vmem>>, vector<1000x16xf32>
    %get3A_2 = arith.constant 0 : index
    %get3A_3 = arith.constant 0 : index
    %get3A_4 = vector.load %arg4[%get3A_2, %get3A_3] : memref<1000x16xf32, #tpu.memory_space<vmem>>, vector<1000x16xf32>
    %slice3A = vector.extract_strided_slice %get3A_1 {offsets = [0, 0], sizes = [1000, 1], strides = [1, 1]} : vector<1000x16xf32> to vector<1000x1xf32>
    %slice3A_5 = vector.extract_strided_slice %get3A_4 {offsets = [0, 0], sizes = [1000, 1], strides = [1, 1]} : vector<1000x16xf32> to vector<1000x1xf32>
    %add3A = arith.addf %slice3A, %slice3A_5 : vector<1000x1xf32>
    %add3A_6 = arith.constant 1.000000e+00 : f32
    %add3A_7 = vector.broadcast %add3A_6 : f32 to vector<1000x1xf32>
    %add3A_8 = arith.addf %add3A, %add3A_7 : vector<1000x1xf32>
    %rsqrt3A = math.rsqrt %add3A_8 : vector<1000x1xf32>
    %get3A_9 = arith.constant 0 : index
    %get3A_10 = arith.constant 0 : index
    %get3A_11 = vector.load %arg1[%get3A_9, %get3A_10] : memref<1000x128xf32, #tpu.memory_space<vmem>>, vector<1000x128xf32>
    %get3A_12 = arith.constant 0 : index
    %get3A_13 = arith.constant 0 : index
    %get3A_14 = vector.load %arg2[%get3A_12, %get3A_13] : memref<128x128xf32, #tpu.memory_space<vmem>>, vector<128x128xf32>
    %dot_general3A = arith.constant dense<0.000000e+00> : vector<1000x128xf32>
    %dot_general3A_15 = tpu.matmul %get3A_11, %get3A_14, %dot_general3A {dimension_numbers = #tpu.dot_dimension_numbers<[1], [0], [0], [1], [0, 0, 1, 1], [], []>, transpose_lhs_hint = false} : vector<1000x128xf32>, vector<128x128xf32>, vector<1000x128xf32> -> vector<1000x128xf32>
    %mul3A = vector.broadcast %rsqrt3A : vector<1000x1xf32> to vector<1000x128xf32>
    %mul3A_16 = arith.mulf %dot_general3A_15, %mul3A : vector<1000x128xf32>
    %swap3A = arith.constant 0 : index
    %swap3A_17 = arith.constant 0 : index
    %swap3A_18 = vector.load %arg5[%swap3A, %swap3A_17] : memref<1000x128xf32, #tpu.memory_space<vmem>>, vector<1000x128xf32>
    tpu.vector_store %arg5[%swap3A, %swap3A_17], %mul3A_16 {strides = array<i32>} : memref<1000x128xf32, #tpu.memory_space<vmem>>, vector<1000x128xf32>,
    return
  }
  func.func @transform_0(%arg0: i32) -> (i32, i32) {
    %c0_i32 = arith.constant 0 : i32
    %c0_i32_0 = arith.constant 0 : i32
    return %arg0, %c0_i32 : i32, i32
  }
  func.func @transform_1(%arg0: i32) -> (i32, i32) {
    %c0_i32 = arith.constant 0 : i32
    %c0_i32_0 = arith.constant 0 : i32
    %c0_i32_1 = arith.constant 0 : i32
    return %c0_i32, %c0_i32_0 : i32, i32
  }
  func.func @transform_2(%arg0: i32) -> (i32, i32) {
    %c0_i32 = arith.constant 0 : i32
    %c0_i32_0 = arith.constant 0 : i32
    return %arg0, %c0_i32 : i32, i32
  }
  func.func @transform_3(%arg0: i32) -> (i32, i32) {
    %c0_i32 = arith.constant 0 : i32
    %c0_i32_0 = arith.constant 0 : i32
    return %arg0, %c0_i32 : i32, i32
  }
  func.func @transform_4(%arg0: i32) -> (i32, i32) {
    %c0_i32 = arith.constant 0 : i32
    %c0_i32_0 = arith.constant 0 : i32
    return %arg0, %c0_i32 : i32, i32
  }
}

module attributes {stable_mosaic.version = 14 : i64} {
  func.func @_tc_b_body(%arg0: i32, %arg1: memref<1000x128xf32, #tpu.memory_space<vmem>>, %arg2: memref<1000x128xf32, #tpu.memory_space<vmem>>, %arg3: memref<1000x128xf32, #tpu.memory_space<vmem>>, %arg4: memref<1000x16xf32, #tpu.memory_space<vmem>>, %arg5: memref<1000x16xf32, #tpu.memory_space<vmem>>, %arg6: memref<1x128xf32, #tpu.memory_space<vmem>>, %arg7: memref<128x128xf32, #tpu.memory_space<vmem>>, %arg8: memref<1000x128xf32, #tpu.memory_space<vmem>>) attributes {dimension_semantics = [#tpu.dimension_semantics<arbitrary>], iteration_bounds = array<i64: 10>, scalar_prefetch = 0 : i64, scratch_operands = 0 : i64, tpu.core_type = #tpu.core_type<tc>, window_params = [{transform_indices = @transform_0, window_bounds = array<i64: 1000, 128>}, {transform_indices = @transform_1, window_bounds = array<i64: 1000, 128>}, {transform_indices = @transform_2, window_bounds = array<i64: 1000, 128>}, {transform_indices = @transform_3, window_bounds = array<i64: 1000, 16>}, {transform_indices = @transform_4, window_bounds = array<i64: 1000, 16>}, {pipeline_mode = #tpu.pipeline_mode<synchronous>, transform_indices = @transform_5, window_bounds = array<i64: 1, 128>}, {pipeline_mode = #tpu.pipeline_mode<synchronous>, transform_indices = @transform_6, window_bounds = array<i64: 128, 128>}, {transform_indices = @transform_7, window_bounds = array<i64: 1000, 128>}]} {
    %get3A = arith.constant 0 : index
    %get3A_0 = arith.constant 0 : index
    %get3A_1 = vector.load %arg4[%get3A, %get3A_0] : memref<1000x16xf32, #tpu.memory_space<vmem>>, vector<1000x16xf32>
    %get3A_2 = arith.constant 0 : index
    %get3A_3 = arith.constant 0 : index
    %get3A_4 = vector.load %arg5[%get3A_2, %get3A_3] : memref<1000x16xf32, #tpu.memory_space<vmem>>, vector<1000x16xf32>
    %slice3A = vector.extract_strided_slice %get3A_1 {offsets = [0, 0], sizes = [1000, 1], strides = [1, 1]} : vector<1000x16xf32> to vector<1000x1xf32>
    %slice3A_5 = vector.extract_strided_slice %get3A_4 {offsets = [0, 0], sizes = [1000, 1], strides = [1, 1]} : vector<1000x16xf32> to vector<1000x1xf32>
    %add3A = arith.addf %slice3A, %slice3A_5 : vector<1000x1xf32>
    %add3A_6 = arith.constant 1.000000e+00 : f32
    %add3A_7 = vector.broadcast %add3A_6 : f32 to vector<1000x1xf32>
    %add3A_8 = arith.addf %add3A, %add3A_7 : vector<1000x1xf32>
    %rsqrt3A = math.rsqrt %add3A_8 : vector<1000x1xf32>
    %get3A_9 = arith.constant 0 : index
    %get3A_10 = arith.constant 0 : index
    %get3A_11 = vector.load %arg1[%get3A_9, %get3A_10] : memref<1000x128xf32, #tpu.memory_space<vmem>>, vector<1000x128xf32>
    %get3A_12 = arith.constant 0 : index
    %get3A_13 = arith.constant 0 : index
    %get3A_14 = vector.load %arg2[%get3A_12, %get3A_13] : memref<1000x128xf32, #tpu.memory_space<vmem>>, vector<1000x128xf32>
    %add3A_15 = arith.addf %get3A_11, %get3A_14 : vector<1000x128xf32>
    %get3A_16 = arith.constant 0 : index
    %get3A_17 = arith.constant 0 : index
    %get3A_18 = vector.load %arg3[%get3A_16, %get3A_17] : memref<1000x128xf32, #tpu.memory_space<vmem>>, vector<1000x128xf32>
    %add3A_19 = arith.addf %add3A_15, %get3A_18 : vector<1000x128xf32>
    %mul3A = vector.broadcast %rsqrt3A : vector<1000x1xf32> to vector<1000x128xf32>
    %mul3A_20 = arith.mulf %mul3A, %add3A_19 : vector<1000x128xf32>
    %get3A_21 = arith.constant 0 : index
    %get3A_22 = arith.constant 0 : index
    %get3A_23 = vector.load %arg6[%get3A_21, %get3A_22] : memref<1x128xf32, #tpu.memory_space<vmem>>, vector<1x128xf32>
    %add3A_24 = vector.broadcast %get3A_23 : vector<1x128xf32> to vector<1000x128xf32>
    %add3A_25 = arith.addf %mul3A_20, %add3A_24 : vector<1000x128xf32>
    %max3A = arith.constant 0.000000e+00 : f32
    %max3A_26 = vector.broadcast %max3A : f32 to vector<1000x128xf32>
    %max3A_27 = arith.maximumf %add3A_25, %max3A_26 : vector<1000x128xf32>
    %get3A_28 = arith.constant 0 : index
    %get3A_29 = arith.constant 0 : index
    %get3A_30 = vector.load %arg7[%get3A_28, %get3A_29] : memref<128x128xf32, #tpu.memory_space<vmem>>, vector<128x128xf32>
    %dot_general3A = arith.constant dense<0.000000e+00> : vector<1000x128xf32>
    %dot_general3A_31 = tpu.matmul %max3A_27, %get3A_30, %dot_general3A {dimension_numbers = #tpu.dot_dimension_numbers<[1], [0], [0], [1], [0, 0, 1, 1], [], []>, transpose_lhs_hint = false} : vector<1000x128xf32>, vector<128x128xf32>, vector<1000x128xf32> -> vector<1000x128xf32>
    %mul3A_32 = vector.broadcast %rsqrt3A : vector<1000x1xf32> to vector<1000x128xf32>
    %mul3A_33 = arith.mulf %dot_general3A_31, %mul3A_32 : vector<1000x128xf32>
    %swap3A = arith.constant 0 : index
    %swap3A_34 = arith.constant 0 : index
    %swap3A_35 = vector.load %arg8[%swap3A, %swap3A_34] : memref<1000x128xf32, #tpu.memory_space<vmem>>, vector<1000x128xf32>
    tpu.vector_store %arg8[%swap3A, %swap3A_34], %mul3A_33 {strides = array<i32>} : memref<1000x128xf32, #tpu.memory_space<vmem>>, vector<1000x128xf32>,
    return
  }
  func.func @transform_0(%arg0: i32) -> (i32, i32) {
    %c0_i32 = arith.constant 0 : i32
    %c0_i32_0 = arith.constant 0 : i32
    return %arg0, %c0_i32 : i32, i32
  }
  func.func @transform_1(%arg0: i32) -> (i32, i32) {
    %c0_i32 = arith.constant 0 : i32
    %c0_i32_0 = arith.constant 0 : i32
    return %arg0, %c0_i32 : i32, i32
  }
  func.func @transform_2(%arg0: i32) -> (i32, i32) {
    %c0_i32 = arith.constant 0 : i32
    %c0_i32_0 = arith.constant 0 : i32
    return %arg0, %c0_i32 : i32, i32
  }
  func.func @transform_3(%arg0: i32) -> (i32, i32) {
    %c0_i32 = arith.constant 0 : i32
    %c0_i32_0 = arith.constant 0 : i32
    return %arg0, %c0_i32 : i32, i32
  }
  func.func @transform_4(%arg0: i32) -> (i32, i32) {
    %c0_i32 = arith.constant 0 : i32
    %c0_i32_0 = arith.constant 0 : i32
    return %arg0, %c0_i32 : i32, i32
  }
  func.func @transform_5(%arg0: i32) -> (i32, i32) {
    %c0_i32 = arith.constant 0 : i32
    %c0_i32_0 = arith.constant 0 : i32
    %c0_i32_1 = arith.constant 0 : i32
    return %c0_i32, %c0_i32_0 : i32, i32
  }
  func.func @transform_6(%arg0: i32) -> (i32, i32) {
    %c0_i32 = arith.constant 0 : i32
    %c0_i32_0 = arith.constant 0 : i32
    %c0_i32_1 = arith.constant 0 : i32
    return %c0_i32, %c0_i32_0 : i32, i32
  }
  func.func @transform_7(%arg0: i32) -> (i32, i32) {
    %c0_i32 = arith.constant 0 : i32
    %c0_i32_0 = arith.constant 0 : i32
    return %arg0, %c0_i32 : i32, i32
  }
}

module attributes {stable_mosaic.version = 14 : i64} {
  func.func @_tc_c_body(%arg0: i32, %arg1: memref<1000x128xf32, #tpu.memory_space<vmem>>, %arg2: memref<1000x128xf32, #tpu.memory_space<vmem>>, %arg3: memref<1000x128xf32, #tpu.memory_space<vmem>>, %arg4: memref<1000x16xf32, #tpu.memory_space<vmem>>, %arg5: memref<1000x16xf32, #tpu.memory_space<vmem>>, %arg6: memref<1x128xf32, #tpu.memory_space<vmem>>, %arg7: memref<1000x128xf32, #tpu.memory_space<vmem>>) attributes {dimension_semantics = [#tpu.dimension_semantics<arbitrary>], iteration_bounds = array<i64: 10>, scalar_prefetch = 0 : i64, scratch_operands = 0 : i64, tpu.core_type = #tpu.core_type<tc>, window_params = [{transform_indices = @transform_0, window_bounds = array<i64: 1000, 128>}, {transform_indices = @transform_1, window_bounds = array<i64: 1000, 128>}, {transform_indices = @transform_2, window_bounds = array<i64: 1000, 128>}, {transform_indices = @transform_3, window_bounds = array<i64: 1000, 16>}, {transform_indices = @transform_4, window_bounds = array<i64: 1000, 16>}, {pipeline_mode = #tpu.pipeline_mode<synchronous>, transform_indices = @transform_5, window_bounds = array<i64: 1, 128>}, {transform_indices = @transform_6, window_bounds = array<i64: 1000, 128>}]} {
    %get3A = arith.constant 0 : index
    %get3A_0 = arith.constant 0 : index
    %get3A_1 = vector.load %arg4[%get3A, %get3A_0] : memref<1000x16xf32, #tpu.memory_space<vmem>>, vector<1000x16xf32>
    %get3A_2 = arith.constant 0 : index
    %get3A_3 = arith.constant 0 : index
    %get3A_4 = vector.load %arg5[%get3A_2, %get3A_3] : memref<1000x16xf32, #tpu.memory_space<vmem>>, vector<1000x16xf32>
    %slice3A = vector.extract_strided_slice %get3A_1 {offsets = [0, 0], sizes = [1000, 1], strides = [1, 1]} : vector<1000x16xf32> to vector<1000x1xf32>
    %slice3A_5 = vector.extract_strided_slice %get3A_4 {offsets = [0, 0], sizes = [1000, 1], strides = [1, 1]} : vector<1000x16xf32> to vector<1000x1xf32>
    %add3A = arith.addf %slice3A, %slice3A_5 : vector<1000x1xf32>
    %add3A_6 = arith.constant 1.000000e+00 : f32
    %add3A_7 = vector.broadcast %add3A_6 : f32 to vector<1000x1xf32>
    %add3A_8 = arith.addf %add3A, %add3A_7 : vector<1000x1xf32>
    %rsqrt3A = math.rsqrt %add3A_8 : vector<1000x1xf32>
    %get3A_9 = arith.constant 0 : index
    %get3A_10 = arith.constant 0 : index
    %get3A_11 = vector.load %arg1[%get3A_9, %get3A_10] : memref<1000x128xf32, #tpu.memory_space<vmem>>, vector<1000x128xf32>
    %get3A_12 = arith.constant 0 : index
    %get3A_13 = arith.constant 0 : index
    %get3A_14 = vector.load %arg2[%get3A_12, %get3A_13] : memref<1000x128xf32, #tpu.memory_space<vmem>>, vector<1000x128xf32>
    %add3A_15 = arith.addf %get3A_11, %get3A_14 : vector<1000x128xf32>
    %get3A_16 = arith.constant 0 : index
    %get3A_17 = arith.constant 0 : index
    %get3A_18 = vector.load %arg3[%get3A_16, %get3A_17] : memref<1000x128xf32, #tpu.memory_space<vmem>>, vector<1000x128xf32>
    %add3A_19 = arith.addf %add3A_15, %get3A_18 : vector<1000x128xf32>
    %mul3A = vector.broadcast %rsqrt3A : vector<1000x1xf32> to vector<1000x128xf32>
    %mul3A_20 = arith.mulf %mul3A, %add3A_19 : vector<1000x128xf32>
    %get3A_21 = arith.constant 0 : index
    %get3A_22 = arith.constant 0 : index
    %get3A_23 = vector.load %arg6[%get3A_21, %get3A_22] : memref<1x128xf32, #tpu.memory_space<vmem>>, vector<1x128xf32>
    %add3A_24 = vector.broadcast %get3A_23 : vector<1x128xf32> to vector<1000x128xf32>
    %add3A_25 = arith.addf %mul3A_20, %add3A_24 : vector<1000x128xf32>
    %iota3A = tpu.iota {dimensions = array<i32: 1>} : vector<1x128xi32>
    %lt3A = arith.constant 40 : i32
    %lt3A_26 = vector.broadcast %lt3A : i32 to vector<1x128xi32>
    %lt3A_27 = arith.cmpi slt, %iota3A, %lt3A_26 : vector<1x128xi32>
    %jit3A = arith.constant -1.000000e+30 : f32
    %broadcast_in_dim3A = vector.shape_cast %lt3A_27 : vector<1x128xi1> to vector<1x128xi1>
    %broadcast_in_dim3A_28 = vector.broadcast %broadcast_in_dim3A : vector<1x128xi1> to vector<1000x128xi1>
    %broadcast_in_dim3A_29 = vector.broadcast %jit3A : f32 to vector<1000x128xf32>
    %select_n3A = arith.select %broadcast_in_dim3A_28, %add3A_25, %broadcast_in_dim3A_29 : vector<1000x128xi1>, vector<1000x128xf32>
    %reduce_max3A = arith.constant dense<0xFF800000> : vector<1000xf32>
    %reduce_max3A_30 = vector.multi_reduction <maximumf>, %select_n3A, %reduce_max3A [1] : vector<1000x128xf32> to vector<1000xf32>
    %broadcast_in_dim3A_31 = vector.shape_cast %reduce_max3A_30 : vector<1000xf32> to vector<1000x1xf32>
    %sub3A = vector.broadcast %broadcast_in_dim3A_31 : vector<1000x1xf32> to vector<1000x128xf32>
    %sub3A_32 = arith.subf %add3A_25, %sub3A : vector<1000x128xf32>
    %exp3A = math.exp %sub3A_32 : vector<1000x128xf32>
    %jit3A_33 = arith.constant 0.000000e+00 : f32
    %broadcast_in_dim3A_34 = vector.shape_cast %lt3A_27 : vector<1x128xi1> to vector<1x128xi1>
    %broadcast_in_dim3A_35 = vector.broadcast %broadcast_in_dim3A_34 : vector<1x128xi1> to vector<1000x128xi1>
    %broadcast_in_dim3A_36 = vector.broadcast %jit3A_33 : f32 to vector<1000x128xf32>
    %select_n3A_37 = arith.select %broadcast_in_dim3A_35, %exp3A, %broadcast_in_dim3A_36 : vector<1000x128xi1>, vector<1000x128xf32>
    %reduce_sum3A = arith.constant dense<0.000000e+00> : vector<1000xf32>
    %reduce_sum3A_38 = vector.multi_reduction <add>, %select_n3A_37, %reduce_sum3A [1] : vector<1000x128xf32> to vector<1000xf32>
    %broadcast_in_dim3A_39 = vector.shape_cast %reduce_sum3A_38 : vector<1000xf32> to vector<1000x1xf32>
    %sub3A_40 = vector.broadcast %broadcast_in_dim3A_31 : vector<1000x1xf32> to vector<1000x128xf32>
    %sub3A_41 = arith.subf %add3A_25, %sub3A_40 : vector<1000x128xf32>
    %log3A = math.log %broadcast_in_dim3A_39 : vector<1000x1xf32>
    %sub3A_42 = vector.broadcast %log3A : vector<1000x1xf32> to vector<1000x128xf32>
    %sub3A_43 = arith.subf %sub3A_41, %sub3A_42 : vector<1000x128xf32>
    %swap3A = arith.constant 0 : index
    %swap3A_44 = arith.constant 0 : index
    %swap3A_45 = vector.load %arg7[%swap3A, %swap3A_44] : memref<1000x128xf32, #tpu.memory_space<vmem>>, vector<1000x128xf32>
    tpu.vector_store %arg7[%swap3A, %swap3A_44], %sub3A_43 {strides = array<i32>} : memref<1000x128xf32, #tpu.memory_space<vmem>>, vector<1000x128xf32>,
    return
  }
  func.func @transform_0(%arg0: i32) -> (i32, i32) {
    %c0_i32 = arith.constant 0 : i32
    %c0_i32_0 = arith.constant 0 : i32
    return %arg0, %c0_i32 : i32, i32
  }
  func.func @transform_1(%arg0: i32) -> (i32, i32) {
    %c0_i32 = arith.constant 0 : i32
    %c0_i32_0 = arith.constant 0 : i32
    return %arg0, %c0_i32 : i32, i32
  }
  func.func @transform_2(%arg0: i32) -> (i32, i32) {
    %c0_i32 = arith.constant 0 : i32
    %c0_i32_0 = arith.constant 0 : i32
    return %arg0, %c0_i32 : i32, i32
  }
  func.func @transform_3(%arg0: i32) -> (i32, i32) {
    %c0_i32 = arith.constant 0 : i32
    %c0_i32_0 = arith.constant 0 : i32
    return %arg0, %c0_i32 : i32, i32
  }
  func.func @transform_4(%arg0: i32) -> (i32, i32) {
    %c0_i32 = arith.constant 0 : i32
    %c0_i32_0 = arith.constant 0 : i32
    return %arg0, %c0_i32 : i32, i32
  }
  func.func @transform_5(%arg0: i32) -> (i32, i32) {
    %c0_i32 = arith.constant 0 : i32
    %c0_i32_0 = arith.constant 0 : i32
    %c0_i32_1 = arith.constant 0 : i32
    return %c0_i32, %c0_i32_0 : i32, i32
  }
  func.func @transform_6(%arg0: i32) -> (i32, i32) {
    %c0_i32 = arith.constant 0 : i32
    %c0_i32_0 = arith.constant 0 : i32
    return %arg0, %c0_i32 : i32, i32
  }
}

</mosaic_0001>

<sc_bundles>
// kernel: kernel.11.cloned.1.call-start
scs
__scs_entry_jumppad:
0x0: {  	(pc) =	sbr.rel $0x88, $3  }
0x1: {  	(tag) =	ssettag $0x0;
	lr =	simm.s32 $0x1  }
0x2: {  	[smem:$0x3F9B] =	sst lr;
	_ =	strace $0xD0000000  }
0x3: {  	_ = 	snop  }
0x4: {  	_ = 	snop  }
0x5: {  	_ = 	snop  }
0x6: {  	_ = 	snop  }
0x7: {  	_ = 	snop  }
__scs_overlays_trampoline_lowered:
0x8: {  	[smem:$0x3FAA] =	sst s0  }
0x9: {  	[smem:$0x3FAB] =	sst s1  }
0xa: {  	[smem:$0x3FAC] =	sst s2  }
0xb: {  	[smem:$0x3FAD] =	sst s3  }
0xc: {  	[smem:$0x3FAE] =	sst s4  }
0xd: {  	[smem:$0x3FAF] =	sst s5  }
0xe: {  	[smem:$0x3FB0] =	sst s6  }
0xf: {  	[smem:$0x3FB1] =	sst s7  }
0x10: {  	[smem:$0x3FB2] =	sst s8  }
0x11: {  	[smem:$0x3FB3] =	sst s9;
	s0 =	simm.s32 @!p0 $0x0  }
0x12: {  	s1 =	sld [smem:$0x3F99];
	s0 =	simm.s32 @p0 $0x1  }
0x13: {  	[smem:$0x3FB4] =	sst s0;
	s0 =	simm.s32 @!p1 $0x0  }
0x14: {  	s2 =	sld [smem:$0x3F98];
	s0 =	simm.s32 @p1 $0x1  }
0x15: {  	[smem:$0x3FB5] =	sst s0;
	s0 =	simm.s32 @!p2 $0x0  }
0x16: {  	s3 =	sld [smem:$0x3FDB];
	s0 =	simm.s32 @p2 $0x1  }
0x17: {  	s4 =	simm.s32 $0x1BF5;
	[smem:$0x3FB7] =	sst s0  }
0x18: {  	s0 =	sld [smem:$0x3F9A];
	_ =	swait.ge [sflag:s4], $0x0  }
0x19: {  	s7 =	sld [smem:$0x3F9B]  }
0x1a: {  	s8 =	sadd.s32 $0xFFFFE003, lr  }
0x1b: {  	s9 =	sadd.s32 $0xFFFFFEF7, lr;
	s5 =	simm.s32 $0xFFFFFFFF;
	p2 =	slt.u32 s8, $0xFFFFF086  }
0x1c: {  	p1 =	slt.u32 s9, $0xF7A;
	s5 =	simm.s32 @!p2 $0x0  }
0x1d: {  	s5 =	simm.s32 @p1 $0x1;
	p0 =	seq.s32 s7, s2  }
0x1e: {  	s7 =	smul.u32 @!p0 $0xF7A, s2;
	p2 =	seq.s32 @!p0 s5, $0x0  }
0x1f: {  	s9 =	smul.u32 $0xF7A, s1;
	s8 =	simm.s32 @!p0 $0x1BF5;
	p2 =	por !p2, p0  }
0x20: {  	[sflag:s8] =	ssyncset.s32 @!p0 $0xFFFFF086;
	s6 =	sadd.s32 @!p0 s3, s7;
	s7 =	simm.s32 @!p0 $0x108  }
0x21: {  	s3 =	sadd.s32 s3, s9;
	s6 =	sadd.s32 @!p0 $0x88, s6;
	s7 =	simm.s32 @p2 $0x1082  }
0x22: {  	[simem:s7], [sflag:s8] =	dma.local @!p0 [hbm:s6], $0xF7A  }
0x23: {  	s9 =	sor.u32 $0xD0000000, s2;
	s6 =	simm.s32 $0x108;
	_ =	swait.ge @!p0 [sflag:s8], $0x0  }
0x24: {  	s3 =	sadd.s32 $0x88, s3;
	s6 =	simm.s32 @!p1 $0x1082;
	[sflag:s4] =	ssyncset.s32 $0xFFFFF086  }
0x25: {  	[simem:s6], [sflag:s4] =	dma.local [hbm:s3], $0xF7A  }
0x26: {  	[smem:$0x3F9B] =	sst s1;
	(tag) =	ssettag s2;
	_ =	strace s9  }
0x27: {  	s1 =	sld [smem:$0x3FAB]  }
0x28: {  	s2 =	sld [smem:$0x3FAC]  }
0x29: {  	s4 =	sld [smem:$0x3FAE]  }
0x2a: {  	p0 =	seq.s32 s5, $0x0;
	s5 =	sld [smem:$0x3FAF]  }
0x2b: {  	s6 =	sld [smem:$0x3FB0]  }
0x2c: {  	s7 =	sld [smem:$0x3FB1]  }
0x2d: {  	s3 =	simm.s32 $0x108;
	s8 =	sld [smem:$0x3FB2]  }
0x2e: {  	s3 =	simm.s32 @!p0 $0x1082;
	s9 =	sld [smem:$0x3FB3]  }
0x2f: {  	lr =	sadd.s32 s0, s3;
	s0 =	sld [smem:$0x3FAA]  }
0x30: {  	s3 =	sld [smem:$0x3FAD]  }
0x31: {  	[smem:$0x3FB6] =	sst s10  }
0x32: {  	s10 =	sld [smem:$0x3FB4];
	_ =	sdelay $0x3  }
0x33: {  	p0 =	seq.s32 s10, $0x1;
	s10 =	sld [smem:$0x3FB6];
	_ =	sdelay $0x3  }
0x34: {  	[smem:$0x3FB6] =	sst s10  }
0x35: {  	s10 =	sld [smem:$0x3FB5];
	_ =	sdelay $0x3  }
0x36: {  	p1 =	seq.s32 s10, $0x1;
	s10 =	sld [smem:$0x3FB6];
	_ =	sdelay $0x3  }
0x37: {  	[smem:$0x3FB6] =	sst s10  }
0x38: {  	s10 =	sld [smem:$0x3FB7]  }
0x39: {  	_ = 	snop;
	(pc) =	sbr.ind lr, $3  }
0x3a: {  	_ = 	snop  }
0x3b: {  	_ = 	snop  }
0x3c: {  	p2 =	seq.s32 s10, $0x1;
	s10 =	sld [smem:$0x3FB6]  }
0x3d: {  	_ =	shalt  }
0x3e: {  	_ =	shalt  }
0x3f: {  	_ =	shalt  }
0x40: {  	_ =	shalt  }
0x41: {  	_ =	shalt  }
0x42: {  	_ =	shalt  }
0x43: {  	_ =	shalt  }
0x44: {  	_ =	shalt  }
0x45: {  	_ =	shalt  }
0x46: {  	_ =	shalt  }
0x47: {  	_ =	shalt  }
0x48: {  	_ =	shalt  }
0x49: {  	_ =	shalt  }
0x4a: {  	_ =	shalt  }
0x4b: {  	_ =	shalt  }
0x4c: {  	_ =	shalt  }
0x4d: {  	_ =	shalt  }
0x4e: {  	_ =	shalt  }
0x4f: {  	_ =	shalt  }
0x50: {  	_ =	shalt  }
0x51: {  	_ =	shalt  }
0x52: {  	_ =	shalt  }
0x53: {  	_ =	shalt  }
0x54: {  	_ =	shalt  }
0x55: {  	_ =	shalt  }
0x56: {  	_ =	shalt  }
0x57: {  	_ =	shalt  }
0x58: {  	_ =	shalt  }
0x59: {  	_ =	shalt  }
0x5a: {  	_ =	shalt  }
0x5b: {  	_ =	shalt  }
0x5c: {  	_ =	shalt  }
0x5d: {  	_ =	shalt  }
0x5e: {  	_ =	shalt  }
0x5f: {  	_ =	shalt  }
0x60: {  	_ =	shalt  }
0x61: {  	_ =	shalt  }
0x62: {  	_ =	shalt  }
0x63: {  	_ =	shalt  }
0x64: {  	_ =	shalt  }
0x65: {  	_ =	shalt  }
0x66: {  	_ =	shalt  }
0x67: {  	_ =	shalt  }
0x68: {  	_ =	shalt  }
0x69: {  	_ =	shalt  }
0x6a: {  	_ =	shalt  }
0x6b: {  	_ =	shalt  }
0x6c: {  	_ =	shalt  }
0x6d: {  	_ =	shalt  }
0x6e: {  	_ =	shalt  }
0x6f: {  	_ =	shalt  }
0x70: {  	_ =	shalt  }
0x71: {  	_ =	shalt  }
0x72: {  	_ =	shalt  }
0x73: {  	_ =	shalt  }
0x74: {  	_ =	shalt  }
0x75: {  	_ =	shalt  }
0x76: {  	_ =	shalt  }
0x77: {  	_ =	shalt  }
0x78: {  	_ =	shalt  }
0x79: {  	_ =	shalt  }
0x7a: {  	_ =	shalt  }
0x7b: {  	_ =	shalt  }
0x7c: {  	_ =	shalt  }
0x7d: {  	_ =	shalt  }
0x7e: {  	_ =	shalt  }
0x7f: {  	_ =	shalt  }
0x80: {  	_ =	shalt  }
0x81: {  	_ =	shalt  }
0x82: {  	_ =	shalt  }
0x83: {  	_ =	shalt  }
0x84: {  	_ =	shalt  }
0x85: {  	_ =	shalt  }
0x86: {  	_ =	shalt  }
0x87: {  	_ =	shalt  }
.Lfunc_end0:
.L_simem_size_0:
called_computation.1_lowered:
.L_overlay_start_0:
0x88: {  	s2 =	sld [smem:$0x3FD9]  }
0x89: {  	s3 =	sld [smem:$0x3FFE];
	_ =	sdelay $0x1  }
0x8a: {  	s1 =	srdreg.scid  }
0x8b: {  	s0 =	sand.u32 $0x1, s1  }
0x8c: {  	s17 =	sshll.u32 s0, $0xA;
	s2 =	sadd.s32 s3, s2  }
0x8d: {  	s2 =	sadd.s32 s2, s17  }
0x8e: {  	[smem:$0x3FC2] =	sst s2  }
0x8f: {  	_ = 	snop  }
0x90: {  	s2 =	sld [smem:$0x3FD0];
	(tm) =	ssettm $0x1  }
0x91: {  	s18 =	sld [smem:$0x3FFB];
	_ =	sdelay $0x3  }
0x92: {  	_ =	strace s18  }
0x93: {  	s3 =	sld [smem:$0x3FFC];
	_ =	sdelay $0x3  }
0x94: {  	_ =	strace s3  }
0x95: {  	s3 =	sld [smem:$0x3FFD];
	_ =	sdelay $0x3  }
0x96: {  	_ =	strace s3  }
0x97: {  	_ =	strace $0x8FFFFFFF  }
0x98: {  	s19 =	sld [smem:$0x3FDB];
	_ =	sdelay $0x1  }
0x99: {  	s4 =	simm.s32 $_scs_section_size  }
0x9a: {  	s5 =	simm.s32 $_size__tile_overlayer_lowered;
	s6 =	simm.s32 $_tile_overlayer_lowered  }
0x9b: {  	s22 =	simm.s32 $0x1BFF;
	s21 =	sshll.u32 s6, $0x1;
	s3 =	sadd.s32 s4, s19  }
0x9c: {  	s7 =	simm.s32 $0x0;
	s20 =	sshll.u32 s5, $0x1;
	s5 =	sadd.s32 s21, s3  }
0x9d: {  	[timem:s7], [sflag:s22] =	dma.local [hbm:s5], s20  }
0x9e: {  	_ =	swait.ge [sflag:s22], s20  }
0x9f: {  	s4 =	ssub.s32 $0x0, s20;
	[sflag:s22] =	ssyncset.done $0x0  }
0xa0: {  	[sflag:s22] =	ssyncadd.s32 s4;
	_ =	sdelay $0x1  }
0xa1: {  	s23 =	simm.s32 $0x1B8B  }
0xa2: {  	_ =	swait.ge [sflag:s23], $0x1  }
0xa3: {  	[sflag:s23] =	ssyncset.done $0x0  }
0xa4: {  	s25 =	simm.s32 $0x1B8E;
	s24 =	sld [smem:$0x3FFE];
	[sflag:s23] =	ssyncadd.s32 $0xFFFFFFFF  }
0xa5: {  	s26 =	simm.s32 $execute0_lowered;
	[smem:$0x3FD2] =	sst s25  }
0xa6: {  	s5 =	sshll.u32 s26, $0x1;
	_ =	strace $0x80000049;
	[dreg:$0x1] =	wrdreg $0xFFFFFFFF  }
0xa7: {  	s28 =	simm.s32 $_size_execute0_lowered;
	s3 =	sadd.s32 s3, s5;
	[dreg:$0x0] =	wrdreg $0x0  }
0xa8: {  	s5 =	sshll.u32 s28, $0x1;
	[dreg:$0x2] =	wrdreg s3  }
0xa9: {  	[dreg:$0x3] =	wrdreg s5  }
0xaa: {  	[dreg:$0x4] =	wrdreg $0xC0  }
0xab: {  	_ =	task [dreg:s7], $0x5FFFF  }
0xac: {  	[dreg:$0x1] =	wrdreg $0xFFFFFFFF  }
0xad: {  	[dreg:$0x0] =	wrdreg $0x60  }
0xae: {  	[dreg:$0x2] =	wrdreg s24  }
0xaf: {  	[dreg:$0x3] =	wrdreg s2  }
0xb0: {  	[dreg:$0x4] =	wrdreg $0x90000  }
0xb1: {  	[dreg:$0x5] =	wrdreg $0x9  }
0xb2: {  	_ =	task.clear_ibuf [dreg:s7], $0x6FFFF;
	_ =	strace $0x90000049  }
0xb3: {  	s29 =	simm.s32 $0x9;
	_ =	strace $0x8000004B  }
0xb4: {  	_ =	swait.ge [sflag:s29], $0x1  }
0xb5: {  	[sflag:s29] =	ssyncadd.s32 $0xFFFFFFFF  }
0xb6: {  	_ =	strace $0x9000004B  }
0xb7: {  	_ =	sfence  }
0xb8: {  	s30 =	sld [smem:$0x0];
	_ =	sdelay $0x2  }
0xb9: {  	s31 =	sshll.u32 s1, $0xD;
	s1 =	sshrl.u32 s1, $0x2  }
0xba: {  	s3 =	sand.u32 $0x4000, s31;
	s1 =	sadd.s32 s1, s30  }
0xbb: {  	s0 =	sor.u32 s3, s0;
	s1 =	sshll.u32 s1, $0x11  }
0xbc: {  	s0 =	sor.u32 s1, s0  }
0xbd: {  	s0 =	sadd.s32 $0x8F2B, s0  }
0xbe: {  	[sflag:s0] =	ssyncadd.remote.s32 $0x1  }
0xbf: {  	_ =	sfence.sel $0xFFFF  }
0xc0: {  	[dreg:$0x0] =	wrdreg $0xFFFFFFFF;
	(pc) =	sbr.abs _section_cstart, $3  }
0xc1: {  	[dreg:$0x1] =	wrdreg $0xFFFFFFFF  }
0xc2: {  	_ =	task.clear_ibuf [dreg:s7], $0x2FFFF;
	_ =	strace $0x9FFFFFFF  }
0xc3: {  	(tm) =	ssettm $0x7FFFFFFF  }
tec
execute0_lowered:
.L_overlay_start_1:
0x0: {  	(tag) =	ssettag $0x1  }
0x1: {  	s6 =	rddreg [dreg:$0x0]  }
0x2: {  	s1 =	srdreg.scid;
	s11 =	rddreg [dreg:$0x1]  }
0x3: {  	s0 =	stileid.u32;
	s2 =	rddreg [dreg:$0x2]  }
0x4: {  	s3 =	simm.s32 $0x0;
	s15 =	simm.s32 $0x2;
	s16 =	simm.s32 $0x2800  }
0x5: {  	s17 =	simm.s32 $0x80;
	s18 =	simm.s32 $0x1;
	s5 =	sand.u32 $0x1, s1  }
0x6: {  	s29 =	sshll.u32 s0, $0x1;
	s7 =	smul.u32 $0x2800, s0;
	[smem:$0x7FF] =	sst s3  }
0x7: {  	s8 =	smul.u32 $0x50000, s0;
	s4 =	sadd.s32 $0x5D200, s6;
	s19 =	sshll.u32 s0, $0x6  }
0x8: {  	s1 =	sor.u32 s5, s29;
	s9 =	smul.u32 $0x28000, s5;
	s13 =	ssub.s32 $0x2, s5  }
0x9: {  	s19 =	sor.u32 $0x1C02, s19;
	s12 =	smul.u32 $0x500, s1;
	s1 =	rddreg [dreg:$0x3]  }
0xa: {  	_ =	strace $0x8000004A;
	s30 =	sshrl.u32 s8, $0x2;
	s31 =	sshrl.u32 s13, $0x1  }
0xb: {  	s7 =	sadd.s32 s7, s9;
	s5 =	sadd.s32 s30, s2;
	s13 =	ssub.s32 s13, s31  }
0xc: {  	s10 =	sadd.s32 s12, s6;
	s14 =	sadd.s32 s7, s6;
	s6 =	sadd.s32 $0x4000, s5  }
0xd: {  	s7 =	sadd.s32 $0x8000, s5;
	s8 =	sadd.s32 $0xC000, s5;
	s9 =	sadd.s32 $0x10000, s5  }
0xe: {  	s11 =	sadd.s32 s11, s12;
	s13 =	smax.u32 s13, $0x1;
	s20 =	sshrl.u32 s5, $0x3  }
0xf: {  	v0 =	vimm.f32 $0.0e+00;
	s10 =	sadd.s32 $0x53200, s10;
	s12 =	sadd.s32 $0x84400, s14;
	s14 =	simm.s32 $0x5000  }
.LBB2_1:
0x10: {  	s21 =	simm.s32 $0x0;
	s22 =	simm.s32 $0x200  }
.LBB2_2:
0x11: {  	p0 =	sne.s32 s22, $0xFE00;
	[tilespmem:s21+$0x5070] =	vst v0  }
0x12: {  	[tilespmem:s21+$0x5000] =	vst v0  }
0x13: {  	[tilespmem:s21+$0x5010] =	vst v0  }
.Ltmp0:
0x14: {  	[tilespmem:s21+$0x5020] =	vst v0;
	(pc) =	sbr.rel @p0 .LBB2_2-.Ltmp0, $4  }
0x15: {  	[tilespmem:s21+$0x5030] =	vst v0  }
0x16: {  	[tilespmem:s21+$0x5040] =	vst v0  }
0x17: {  	[tilespmem:s21+$0x5050] =	vst v0  }
0x18: {  	[tilespmem:s21+$0x5060] =	vst v0;
	s21 =	sshra.s32 s22, $0x2;
	s22 =	sadd.s32 $0x200, s22  }
0x19: {  	[tilespmem:s21+$0x5070] =	vst v0  }
0x1a: {  	[tilespmem:s21+$0x5000] =	vst v0  }
0x1b: {  	[tilespmem:s21+$0x5010] =	vst v0  }
0x1c: {  	[tilespmem:s21+$0x5020] =	vst v0  }
0x1d: {  	[tilespmem:s21+$0x5030] =	vst v0  }
0x1e: {  	[tilespmem:s21+$0x5040] =	vst v0  }
0x1f: {  	[tilespmem:s21+$0x5050] =	vst v0  }
0x20: {  	[tilespmem:s21+$0x5060] =	vst v0  }
0x21: {  	[spmem:s5] =	stream.linear.scatter [tilespmem:s14], [sflag:$0x2], $0x4000, $0x38;
	[tilespmem:$0x1D000] =	vst v63  }
0x22: {  	_ =	swait.ge [sflag:s15], $0x4000  }
0x23: {  	[sflag:s15] =	ssyncset.done $0x0  }
0x24: {  	[sflag:s15] =	ssyncadd.s32 $0xFFFFC000  }
0x25: {  	[spmem:s6] =	stream.linear.scatter [tilespmem:s14], [sflag:$0x2], $0x4000, $0x38;
	[tilespmem:$0x1D000] =	vst v63  }
0x26: {  	_ =	swait.ge [sflag:s15], $0x4000  }
0x27: {  	[sflag:s15] =	ssyncset.done $0x0  }
0x28: {  	[sflag:s15] =	ssyncadd.s32 $0xFFFFC000  }
0x29: {  	[spmem:s7] =	stream.linear.scatter [tilespmem:s14], [sflag:$0x2], $0x4000, $0x38;
	[tilespmem:$0x1D000] =	vst v63  }
0x2a: {  	_ =	swait.ge [sflag:s15], $0x4000  }
0x2b: {  	[sflag:s15] =	ssyncset.done $0x0  }
0x2c: {  	[sflag:s15] =	ssyncadd.s32 $0xFFFFC000  }
0x2d: {  	[spmem:s8] =	stream.linear.scatter [tilespmem:s14], [sflag:$0x2], $0x4000, $0x38;
	[tilespmem:$0x1D000] =	vst v63  }
0x2e: {  	_ =	swait.ge [sflag:s15], $0x4000  }
0x2f: {  	[sflag:s15] =	ssyncset.done $0x0  }
0x30: {  	[sflag:s15] =	ssyncadd.s32 $0xFFFFC000  }
0x31: {  	[spmem:s9] =	stream.linear.scatter [tilespmem:s14], [sflag:$0x2], $0x4000, $0x38;
	[tilespmem:$0x1D000] =	vst v63  }
0x32: {  	_ =	swait.ge [sflag:s15], $0x4000  }
0x33: {  	[sflag:s15] =	ssyncset.done $0x0  }
0x34: {  	[sflag:s15] =	ssyncadd.s32 $0xFFFFC000  }
0x35: {  	s29 =	simm.s32 $0x0;
	[bflag:$0x0] =	sbarrier.arrive $0xFFFF  }
0x36: {  	[tilespmem:s29], [sflag:$0x2] =	stream.linear.gather [hbm4b:s10+s29], $0x2780, $0x38;
	[tilespmem:$0x1D000] =	vst v63  }
0x37: {  	_ =	swait.ge [sflag:s15], $0x2780  }
0x38: {  	[sflag:s15] =	ssyncset.done $0x0  }
0x39: {  	[sflag:s15] =	ssyncadd.s32 $0xFFFFD880  }
0x3a: {  	[tilespmem:s16], [sflag:$0x2] =	stream.linear.gather [hbm4b:s11+s29], $0x2780, $0x38;
	[tilespmem:$0x1D000] =	vst v63  }
0x3b: {  	_ =	swait.ge [sflag:s15], $0x2780  }
0x3c: {  	[sflag:s15] =	ssyncset.done $0x0  }
0x3d: {  	s30 =	simm.s32 $0x0;
	[sflag:s15] =	ssyncadd.s32 $0xFFFFD880  }
0x3e: {  	[tilespmem:s14], [sflag:$0x1] =	stream.indirect.gather [hbm4b:s4+s17], $0x80, s30, s17, $0xb8;
	[tilespmem:$0x1D000] =	vst v63  }
0x3f: {  	_ =	swait.ge [sflag:s18], $0x4000  }
0x40: {  	[sflag:s18] =	ssyncset.done $0x0  }
0x41: {  	s31 =	simm.s32 $0x2800;
	[sflag:s18] =	ssyncadd.s32 $0xFFFFC000  }
0x42: {  	[spmem:s2] =	stream.indirect.scatter.add.f32 [tilespmem:s14], [sflag:$0x2], $0x80, s31, s17, $0xb8;
	[tilespmem:$0x1D000] =	vst v63  }
0x43: {  	_ =	swait.ge [sflag:s15], $0x4000  }
0x44: {  	s21 =	simm.s32 $0x200;
	s22 =	simm.s32 $0x400;
	[sflag:s15] =	ssyncset.done $0x0  }
.LBB2_4:
0x45: {  	s23 =	sshra.s32 s21, $0x2  }
0x46: {  	[sflag:s15] =	ssyncadd.s32 $0xFFFFC000;
	s21 =	smov.u32 s22;
	s24 =	sadd.s32 $0x200, s22  }
0x47: {  	[tilespmem:s14], [sflag:$0x1] =	stream.indirect.gather [hbm4b:s4+s17], $0x80, s23, s17, $0xb8;
	[tilespmem:$0x1D000] =	vst v63  }
0x48: {  	p0 =	sne.s32 s22, $0x9C00;
	_ =	swait.ge [sflag:s18], $0x4000  }
.Ltmp1:
0x49: {  	[sflag:s18] =	ssyncset.done $0x0;
	(pc) =	sbr.rel @p0 .LBB2_4-.Ltmp1, $4  }
0x4a: {  	s22 =	sadd.s32 $0x2800, s23;
	[sflag:s18] =	ssyncadd.s32 $0xFFFFC000  }
0x4b: {  	[spmem:s2] =	stream.indirect.scatter.add.f32 [tilespmem:s14], [sflag:$0x2], $0x80, s22, s17, $0xb8;
	[tilespmem:$0x1D000] =	vst v63  }
0x4c: {  	_ =	swait.ge [sflag:s15], $0x4000  }
0x4d: {  	s22 =	smov.u32 s24;
	[sflag:s15] =	ssyncset.done $0x0  }
0x4e: {  	s21 =	sshra.s32 s21, $0x2;
	[sflag:s15] =	ssyncadd.s32 $0xFFFFC000  }
0x4f: {  	[tilespmem:s14], [sflag:$0x1] =	stream.indirect.gather [hbm4b:s4+s17], $0x80, s21, s17, $0xb8;
	[tilespmem:$0x1D000] =	vst v63  }
0x50: {  	_ =	swait.ge [sflag:s18], $0x4000  }
0x51: {  	[sflag:s18] =	ssyncset.done $0x0  }
0x52: {  	s21 =	sadd.s32 $0x2800, s21;
	[sflag:s18] =	ssyncadd.s32 $0xFFFFC000  }
0x53: {  	[spmem:s2] =	stream.indirect.scatter.add.f32 [tilespmem:s14], [sflag:$0x2], $0x80, s21, s17, $0xb8;
	[tilespmem:$0x1D000] =	vst v63  }
0x54: {  	_ =	swait.ge [sflag:s15], $0x4000  }
0x55: {  	s3 =	sadd.s32 $0x1, s3;
	[sflag:s15] =	ssyncset.done $0x0  }
0x56: {  	p0 =	sne.s32 s3, s13;
	[sflag:s15] =	ssyncadd.s32 $0xFFFFC000  }
.Ltmp2:
0x57: {  	[bflag:$0x0] =	sbarrier.arrive $0xFFFF;
	(pc) =	sbr.rel @p0 .LBB2_1-.Ltmp2, $4  }
0x58: {  	[hbm:s12], [sflag:s19] =	dma.local [spmem:s20], $0x2800  }
0x59: {  	_ =	swait.ge [sflag:s15], $0x2800  }
0x5a: {  	[sflag:s15] =	ssyncset.done $0x0  }
0x5b: {  	[sflag:s15] =	ssyncadd.s32 $0xFFFFD800  }
0x5c: {  	_ =	sfence.sel $0x180000  }
0x5d: {  	[bflag:$0x0] =	sbarrier.arrive $0xFFFF  }
0x5e: {  	p0 =	sne.s32 s0, $0x0;
	_ =	strace $0x9000004A  }
0x5f: {  	s0 =	sadd.s32 @!p0 $0x100000, s1;
	[bflag:$0x2] =	sbarrier.arrive $0xFFFF  }
0x60: {  	[sflag:s0] =	ssyncadd.tile.s32 @!p0 $0x1;
	_ =	shalt  }
.Lfunc_end2:
_tile_overlayer_lowered:
.L_overlay_start_2:
0x61: {  	(tag) =	ssettag $0x2  }
0x62: {  	s0 =	rddreg [dreg:$0x0];
	s2 =	stileid.u32  }
0x63: {  	s1 =	rddreg [dreg:$0x1];
	p0 =	sne.s32 s2, $0x0  }
0x64: {  	s3 =	rddreg [dreg:$0x2];
	[bflag:$0x3] =	sbarrier.arrive $0xFFFF;
	s2 =	simm.s32 @!p0 $0x1C02  }
0x65: {  	[timem:s3], [sflag:s2] =	dma.local @!p0 [hbm:s0], s1  }
0x66: {  	s0 =	simm.s32 @!p0 $0x2  }
0x67: {  	_ =	swait.ge @!p0 [sflag:s0], s1  }
0x68: {  	s1 =	ssub.s32 @!p0 $0x0, s1;
	[sflag:s0] =	ssyncset.done @!p0 $0x0  }
0x69: {  	[sflag:s0] =	ssyncadd.s32 @!p0 s1  }
0x6a: {  	[bflag:$0x3] =	sbarrier.arrive $0xFFFF  }
0x6b: {  	_ =	shalt  }

// kernel: kernel.14.cloned.1.call-start
scs
__scs_entry_jumppad:
0x0: {  	(pc) =	sbr.rel $0x88, $3  }
0x1: {  	(tag) =	ssettag $0x0;
	lr =	simm.s32 $0x1  }
0x2: {  	[smem:$0x3F9B] =	sst lr;
	_ =	strace $0xD0000000  }
0x3: {  	_ = 	snop  }
0x4: {  	_ = 	snop  }
0x5: {  	_ = 	snop  }
0x6: {  	_ = 	snop  }
0x7: {  	_ = 	snop  }
__scs_overlays_trampoline_lowered:
0x8: {  	[smem:$0x3FAA] =	sst s0  }
0x9: {  	[smem:$0x3FAB] =	sst s1  }
0xa: {  	[smem:$0x3FAC] =	sst s2  }
0xb: {  	[smem:$0x3FAD] =	sst s3  }
0xc: {  	[smem:$0x3FAE] =	sst s4  }
0xd: {  	[smem:$0x3FAF] =	sst s5  }
0xe: {  	[smem:$0x3FB0] =	sst s6  }
0xf: {  	[smem:$0x3FB1] =	sst s7  }
0x10: {  	[smem:$0x3FB2] =	sst s8  }
0x11: {  	[smem:$0x3FB3] =	sst s9;
	s0 =	simm.s32 @!p0 $0x0  }
0x12: {  	s1 =	sld [smem:$0x3F99];
	s0 =	simm.s32 @p0 $0x1  }
0x13: {  	[smem:$0x3FB4] =	sst s0;
	s0 =	simm.s32 @!p1 $0x0  }
0x14: {  	s2 =	sld [smem:$0x3F98];
	s0 =	simm.s32 @p1 $0x1  }
0x15: {  	[smem:$0x3FB5] =	sst s0;
	s0 =	simm.s32 @!p2 $0x0  }
0x16: {  	s3 =	sld [smem:$0x3FDB];
	s0 =	simm.s32 @p2 $0x1  }
0x17: {  	s4 =	simm.s32 $0x1BF5;
	[smem:$0x3FB7] =	sst s0  }
0x18: {  	s0 =	sld [smem:$0x3F9A];
	_ =	swait.ge [sflag:s4], $0x0  }
0x19: {  	s7 =	sld [smem:$0x3F9B]  }
0x1a: {  	s8 =	sadd.s32 $0xFFFFE003, lr  }
0x1b: {  	s9 =	sadd.s32 $0xFFFFFEF7, lr;
	s5 =	simm.s32 $0xFFFFFFFF;
	p2 =	slt.u32 s8, $0xFFFFF086  }
0x1c: {  	p1 =	slt.u32 s9, $0xF7A;
	s5 =	simm.s32 @!p2 $0x0  }
0x1d: {  	s5 =	simm.s32 @p1 $0x1;
	p0 =	seq.s32 s7, s2  }
0x1e: {  	s7 =	smul.u32 @!p0 $0xF7A, s2;
	p2 =	seq.s32 @!p0 s5, $0x0  }
0x1f: {  	s9 =	smul.u32 $0xF7A, s1;
	s8 =	simm.s32 @!p0 $0x1BF5;
	p2 =	por !p2, p0  }
0x20: {  	[sflag:s8] =	ssyncset.s32 @!p0 $0xFFFFF086;
	s6 =	sadd.s32 @!p0 s3, s7;
	s7 =	simm.s32 @!p0 $0x108  }
0x21: {  	s3 =	sadd.s32 s3, s9;
	s6 =	sadd.s32 @!p0 $0x88, s6;
	s7 =	simm.s32 @p2 $0x1082  }
0x22: {  	[simem:s7], [sflag:s8] =	dma.local @!p0 [hbm:s6], $0xF7A  }
0x23: {  	s9 =	sor.u32 $0xD0000000, s2;
	s6 =	simm.s32 $0x108;
	_ =	swait.ge @!p0 [sflag:s8], $0x0  }
0x24: {  	s3 =	sadd.s32 $0x88, s3;
	s6 =	simm.s32 @!p1 $0x1082;
	[sflag:s4] =	ssyncset.s32 $0xFFFFF086  }
0x25: {  	[simem:s6], [sflag:s4] =	dma.local [hbm:s3], $0xF7A  }
0x26: {  	[smem:$0x3F9B] =	sst s1;
	(tag) =	ssettag s2;
	_ =	strace s9  }
0x27: {  	s1 =	sld [smem:$0x3FAB]  }
0x28: {  	s2 =	sld [smem:$0x3FAC]  }
0x29: {  	s4 =	sld [smem:$0x3FAE]  }
0x2a: {  	p0 =	seq.s32 s5, $0x0;
	s5 =	sld [smem:$0x3FAF]  }
0x2b: {  	s6 =	sld [smem:$0x3FB0]  }
0x2c: {  	s7 =	sld [smem:$0x3FB1]  }
0x2d: {  	s3 =	simm.s32 $0x108;
	s8 =	sld [smem:$0x3FB2]  }
0x2e: {  	s3 =	simm.s32 @!p0 $0x1082;
	s9 =	sld [smem:$0x3FB3]  }
0x2f: {  	lr =	sadd.s32 s0, s3;
	s0 =	sld [smem:$0x3FAA]  }
0x30: {  	s3 =	sld [smem:$0x3FAD]  }
0x31: {  	[smem:$0x3FB6] =	sst s10  }
0x32: {  	s10 =	sld [smem:$0x3FB4];
	_ =	sdelay $0x3  }
0x33: {  	p0 =	seq.s32 s10, $0x1;
	s10 =	sld [smem:$0x3FB6];
	_ =	sdelay $0x3  }
0x34: {  	[smem:$0x3FB6] =	sst s10  }
0x35: {  	s10 =	sld [smem:$0x3FB5];
	_ =	sdelay $0x3  }
0x36: {  	p1 =	seq.s32 s10, $0x1;
	s10 =	sld [smem:$0x3FB6];
	_ =	sdelay $0x3  }
0x37: {  	[smem:$0x3FB6] =	sst s10  }
0x38: {  	s10 =	sld [smem:$0x3FB7]  }
0x39: {  	_ = 	snop;
	(pc) =	sbr.ind lr, $3  }
0x3a: {  	_ = 	snop  }
0x3b: {  	_ = 	snop  }
0x3c: {  	p2 =	seq.s32 s10, $0x1;
	s10 =	sld [smem:$0x3FB6]  }
0x3d: {  	_ =	shalt  }
0x3e: {  	_ =	shalt  }
0x3f: {  	_ =	shalt  }
0x40: {  	_ =	shalt  }
0x41: {  	_ =	shalt  }
0x42: {  	_ =	shalt  }
0x43: {  	_ =	shalt  }
0x44: {  	_ =	shalt  }
0x45: {  	_ =	shalt  }
0x46: {  	_ =	shalt  }
0x47: {  	_ =	shalt  }
0x48: {  	_ =	shalt  }
0x49: {  	_ =	shalt  }
0x4a: {  	_ =	shalt  }
0x4b: {  	_ =	shalt  }
0x4c: {  	_ =	shalt  }
0x4d: {  	_ =	shalt  }
0x4e: {  	_ =	shalt  }
0x4f: {  	_ =	shalt  }
0x50: {  	_ =	shalt  }
0x51: {  	_ =	shalt  }
0x52: {  	_ =	shalt  }
0x53: {  	_ =	shalt  }
0x54: {  	_ =	shalt  }
0x55: {  	_ =	shalt  }
0x56: {  	_ =	shalt  }
0x57: {  	_ =	shalt  }
0x58: {  	_ =	shalt  }
0x59: {  	_ =	shalt  }
0x5a: {  	_ =	shalt  }
0x5b: {  	_ =	shalt  }
0x5c: {  	_ =	shalt  }
0x5d: {  	_ =	shalt  }
0x5e: {  	_ =	shalt  }
0x5f: {  	_ =	shalt  }
0x60: {  	_ =	shalt  }
0x61: {  	_ =	shalt  }
0x62: {  	_ =	shalt  }
0x63: {  	_ =	shalt  }
0x64: {  	_ =	shalt  }
0x65: {  	_ =	shalt  }
0x66: {  	_ =	shalt  }
0x67: {  	_ =	shalt  }
0x68: {  	_ =	shalt  }
0x69: {  	_ =	shalt  }
0x6a: {  	_ =	shalt  }
0x6b: {  	_ =	shalt  }
0x6c: {  	_ =	shalt  }
0x6d: {  	_ =	shalt  }
0x6e: {  	_ =	shalt  }
0x6f: {  	_ =	shalt  }
0x70: {  	_ =	shalt  }
0x71: {  	_ =	shalt  }
0x72: {  	_ =	shalt  }
0x73: {  	_ =	shalt  }
0x74: {  	_ =	shalt  }
0x75: {  	_ =	shalt  }
0x76: {  	_ =	shalt  }
0x77: {  	_ =	shalt  }
0x78: {  	_ =	shalt  }
0x79: {  	_ =	shalt  }
0x7a: {  	_ =	shalt  }
0x7b: {  	_ =	shalt  }
0x7c: {  	_ =	shalt  }
0x7d: {  	_ =	shalt  }
0x7e: {  	_ =	shalt  }
0x7f: {  	_ =	shalt  }
0x80: {  	_ =	shalt  }
0x81: {  	_ =	shalt  }
0x82: {  	_ =	shalt  }
0x83: {  	_ =	shalt  }
0x84: {  	_ =	shalt  }
0x85: {  	_ =	shalt  }
0x86: {  	_ =	shalt  }
0x87: {  	_ =	shalt  }
.Lfunc_end0:
.L_simem_size_0:
called_computation.2_lowered:
.L_overlay_start_0:
0x88: {  	s2 =	sld [smem:$0x3FD9]  }
0x89: {  	s3 =	sld [smem:$0x3FFE];
	_ =	sdelay $0x1  }
0x8a: {  	s1 =	srdreg.scid  }
0x8b: {  	s0 =	sand.u32 $0x1, s1  }
0x8c: {  	s17 =	sshll.u32 s0, $0xA;
	s2 =	sadd.s32 s3, s2  }
0x8d: {  	s2 =	sadd.s32 s2, s17  }
0x8e: {  	[smem:$0x3FC2] =	sst s2  }
0x8f: {  	_ = 	snop  }
0x90: {  	s2 =	sld [smem:$0x3FD0];
	(tm) =	ssettm $0x1  }
0x91: {  	s18 =	sld [smem:$0x3FFB];
	_ =	sdelay $0x3  }
0x92: {  	_ =	strace s18  }
0x93: {  	s3 =	sld [smem:$0x3FFC];
	_ =	sdelay $0x3  }
0x94: {  	_ =	strace s3  }
0x95: {  	s3 =	sld [smem:$0x3FFD];
	_ =	sdelay $0x3  }
0x96: {  	_ =	strace s3  }
0x97: {  	_ =	strace $0x8FFFFFFF  }
0x98: {  	s19 =	sld [smem:$0x3FDB];
	_ =	sdelay $0x1  }
0x99: {  	s4 =	simm.s32 $_scs_section_size  }
0x9a: {  	s5 =	simm.s32 $_size__tile_overlayer_lowered;
	s6 =	simm.s32 $_tile_overlayer_lowered  }
0x9b: {  	s22 =	simm.s32 $0x1BFF;
	s21 =	sshll.u32 s6, $0x1;
	s3 =	sadd.s32 s4, s19  }
0x9c: {  	s7 =	simm.s32 $0x0;
	s20 =	sshll.u32 s5, $0x1;
	s5 =	sadd.s32 s21, s3  }
0x9d: {  	[timem:s7], [sflag:s22] =	dma.local [hbm:s5], s20  }
0x9e: {  	_ =	swait.ge [sflag:s22], s20  }
0x9f: {  	s4 =	ssub.s32 $0x0, s20;
	[sflag:s22] =	ssyncset.done $0x0  }
0xa0: {  	[sflag:s22] =	ssyncadd.s32 s4;
	_ =	sdelay $0x1  }
0xa1: {  	s23 =	simm.s32 $0x1B8B  }
0xa2: {  	_ =	swait.ge [sflag:s23], $0x1  }
0xa3: {  	[sflag:s23] =	ssyncset.done $0x0  }
0xa4: {  	s25 =	simm.s32 $0x1B8E;
	s24 =	sld [smem:$0x3FFE];
	[sflag:s23] =	ssyncadd.s32 $0xFFFFFFFF  }
0xa5: {  	s26 =	simm.s32 $execute0_lowered;
	[smem:$0x3FD2] =	sst s25  }
0xa6: {  	s5 =	sshll.u32 s26, $0x1;
	_ =	strace $0x8000004C;
	[dreg:$0x1] =	wrdreg $0xFFFFFFFF  }
0xa7: {  	s28 =	simm.s32 $_size_execute0_lowered;
	s3 =	sadd.s32 s3, s5;
	[dreg:$0x0] =	wrdreg $0x0  }
0xa8: {  	s5 =	sshll.u32 s28, $0x1;
	[dreg:$0x2] =	wrdreg s3  }
0xa9: {  	[dreg:$0x3] =	wrdreg s5  }
0xaa: {  	[dreg:$0x4] =	wrdreg $0xC0  }
0xab: {  	_ =	task [dreg:s7], $0x5FFFF  }
0xac: {  	[dreg:$0x1] =	wrdreg $0xFFFFFFFF  }
0xad: {  	[dreg:$0x0] =	wrdreg $0x60  }
0xae: {  	[dreg:$0x2] =	wrdreg s24  }
0xaf: {  	[dreg:$0x3] =	wrdreg s2  }
0xb0: {  	[dreg:$0x4] =	wrdreg $0x90000  }
0xb1: {  	[dreg:$0x5] =	wrdreg $0x9  }
0xb2: {  	_ =	task.clear_ibuf [dreg:s7], $0x6FFFF;
	_ =	strace $0x9000004C  }
0xb3: {  	s29 =	simm.s32 $0x9;
	_ =	strace $0x8000004E  }
0xb4: {  	_ =	swait.ge [sflag:s29], $0x1  }
0xb5: {  	[sflag:s29] =	ssyncadd.s32 $0xFFFFFFFF  }
0xb6: {  	_ =	strace $0x9000004E  }
0xb7: {  	_ =	sfence  }
0xb8: {  	s30 =	sld [smem:$0x0];
	_ =	sdelay $0x2  }
0xb9: {  	s31 =	sshll.u32 s1, $0xD;
	s1 =	sshrl.u32 s1, $0x2  }
0xba: {  	s3 =	sand.u32 $0x4000, s31;
	s1 =	sadd.s32 s1, s30  }
0xbb: {  	s0 =	sor.u32 s3, s0;
	s1 =	sshll.u32 s1, $0x11  }
0xbc: {  	s0 =	sor.u32 s1, s0  }
0xbd: {  	s0 =	sadd.s32 $0x8F2B, s0  }
0xbe: {  	[sflag:s0] =	ssyncadd.remote.s32 $0x1  }
0xbf: {  	_ =	sfence.sel $0xFFFF  }
0xc0: {  	[dreg:$0x0] =	wrdreg $0xFFFFFFFF;
	(pc) =	sbr.abs _section_cstart, $3  }
0xc1: {  	[dreg:$0x1] =	wrdreg $0xFFFFFFFF  }
0xc2: {  	_ =	task.clear_ibuf [dreg:s7], $0x2FFFF;
	_ =	strace $0x9FFFFFFF  }
0xc3: {  	(tm) =	ssettm $0x7FFFFFFF  }
tec
execute0_lowered:
.L_overlay_start_1:
0x0: {  	(tag) =	ssettag $0x1  }
0x1: {  	s6 =	rddreg [dreg:$0x0]  }
0x2: {  	s1 =	srdreg.scid;
	s11 =	rddreg [dreg:$0x1]  }
0x3: {  	s0 =	stileid.u32;
	s2 =	rddreg [dreg:$0x2]  }
0x4: {  	s3 =	simm.s32 $0x0;
	s15 =	simm.s32 $0x2;
	s16 =	simm.s32 $0x2800  }
0x5: {  	s17 =	simm.s32 $0x80;
	s18 =	simm.s32 $0x1;
	s5 =	sand.u32 $0x1, s1  }
0x6: {  	s29 =	sshll.u32 s0, $0x1;
	s7 =	smul.u32 $0x2800, s0;
	[smem:$0x7FF] =	sst s3  }
0x7: {  	s8 =	smul.u32 $0x50000, s0;
	s4 =	sadd.s32 $0x5D200, s6;
	s19 =	sshll.u32 s0, $0x6  }
0x8: {  	s1 =	sor.u32 s5, s29;
	s9 =	smul.u32 $0x28000, s5;
	s13 =	ssub.s32 $0x2, s5  }
0x9: {  	s19 =	sor.u32 $0x1C02, s19;
	s12 =	smul.u32 $0x500, s1;
	s1 =	rddreg [dreg:$0x3]  }
0xa: {  	_ =	strace $0x8000004D;
	s30 =	sshrl.u32 s8, $0x2;
	s31 =	sshrl.u32 s13, $0x1  }
0xb: {  	s7 =	sadd.s32 s7, s9;
	s5 =	sadd.s32 s30, s2;
	s13 =	ssub.s32 s13, s31  }
0xc: {  	s10 =	sadd.s32 s12, s6;
	s14 =	sadd.s32 s7, s6;
	s6 =	sadd.s32 $0x4000, s5  }
0xd: {  	s7 =	sadd.s32 $0x8000, s5;
	s8 =	sadd.s32 $0xC000, s5;
	s9 =	sadd.s32 $0x10000, s5  }
0xe: {  	s11 =	sadd.s32 s11, s12;
	s13 =	smax.u32 s13, $0x1;
	s20 =	sshrl.u32 s5, $0x3  }
0xf: {  	v0 =	vimm.f32 $0.0e+00;
	s10 =	sadd.s32 $0x53200, s10;
	s12 =	sadd.s32 $0x84400, s14;
	s14 =	simm.s32 $0x5000  }
.LBB2_1:
0x10: {  	s21 =	simm.s32 $0x0;
	s22 =	simm.s32 $0x200  }
.LBB2_2:
0x11: {  	p0 =	sne.s32 s22, $0xFE00;
	[tilespmem:s21+$0x5070] =	vst v0  }
0x12: {  	[tilespmem:s21+$0x5000] =	vst v0  }
0x13: {  	[tilespmem:s21+$0x5010] =	vst v0  }
.Ltmp0:
0x14: {  	[tilespmem:s21+$0x5020] =	vst v0;
	(pc) =	sbr.rel @p0 .LBB2_2-.Ltmp0, $4  }
0x15: {  	[tilespmem:s21+$0x5030] =	vst v0  }
0x16: {  	[tilespmem:s21+$0x5040] =	vst v0  }
0x17: {  	[tilespmem:s21+$0x5050] =	vst v0  }
0x18: {  	[tilespmem:s21+$0x5060] =	vst v0;
	s21 =	sshra.s32 s22, $0x2;
	s22 =	sadd.s32 $0x200, s22  }
0x19: {  	[tilespmem:s21+$0x5070] =	vst v0  }
0x1a: {  	[tilespmem:s21+$0x5000] =	vst v0  }
0x1b: {  	[tilespmem:s21+$0x5010] =	vst v0  }
0x1c: {  	[tilespmem:s21+$0x5020] =	vst v0  }
0x1d: {  	[tilespmem:s21+$0x5030] =	vst v0  }
0x1e: {  	[tilespmem:s21+$0x5040] =	vst v0  }
0x1f: {  	[tilespmem:s21+$0x5050] =	vst v0  }
0x20: {  	[tilespmem:s21+$0x5060] =	vst v0  }
0x21: {  	[spmem:s5] =	stream.linear.scatter [tilespmem:s14], [sflag:$0x2], $0x4000, $0x38;
	[tilespmem:$0x1D000] =	vst v63  }
0x22: {  	_ =	swait.ge [sflag:s15], $0x4000  }
0x23: {  	[sflag:s15] =	ssyncset.done $0x0  }
0x24: {  	[sflag:s15] =	ssyncadd.s32 $0xFFFFC000  }
0x25: {  	[spmem:s6] =	stream.linear.scatter [tilespmem:s14], [sflag:$0x2], $0x4000, $0x38;
	[tilespmem:$0x1D000] =	vst v63  }
0x26: {  	_ =	swait.ge [sflag:s15], $0x4000  }
0x27: {  	[sflag:s15] =	ssyncset.done $0x0  }
0x28: {  	[sflag:s15] =	ssyncadd.s32 $0xFFFFC000  }
0x29: {  	[spmem:s7] =	stream.linear.scatter [tilespmem:s14], [sflag:$0x2], $0x4000, $0x38;
	[tilespmem:$0x1D000] =	vst v63  }
0x2a: {  	_ =	swait.ge [sflag:s15], $0x4000  }
0x2b: {  	[sflag:s15] =	ssyncset.done $0x0  }
0x2c: {  	[sflag:s15] =	ssyncadd.s32 $0xFFFFC000  }
0x2d: {  	[spmem:s8] =	stream.linear.scatter [tilespmem:s14], [sflag:$0x2], $0x4000, $0x38;
	[tilespmem:$0x1D000] =	vst v63  }
0x2e: {  	_ =	swait.ge [sflag:s15], $0x4000  }
0x2f: {  	[sflag:s15] =	ssyncset.done $0x0  }
0x30: {  	[sflag:s15] =	ssyncadd.s32 $0xFFFFC000  }
0x31: {  	[spmem:s9] =	stream.linear.scatter [tilespmem:s14], [sflag:$0x2], $0x4000, $0x38;
	[tilespmem:$0x1D000] =	vst v63  }
0x32: {  	_ =	swait.ge [sflag:s15], $0x4000  }
0x33: {  	[sflag:s15] =	ssyncset.done $0x0  }
0x34: {  	[sflag:s15] =	ssyncadd.s32 $0xFFFFC000  }
0x35: {  	s29 =	simm.s32 $0x0;
	[bflag:$0x0] =	sbarrier.arrive $0xFFFF  }
0x36: {  	[tilespmem:s29], [sflag:$0x2] =	stream.linear.gather [hbm4b:s10+s29], $0x2780, $0x38;
	[tilespmem:$0x1D000] =	vst v63  }
0x37: {  	_ =	swait.ge [sflag:s15], $0x2780  }
0x38: {  	[sflag:s15] =	ssyncset.done $0x0  }
0x39: {  	[sflag:s15] =	ssyncadd.s32 $0xFFFFD880  }
0x3a: {  	[tilespmem:s16], [sflag:$0x2] =	stream.linear.gather [hbm4b:s11+s29], $0x2780, $0x38;
	[tilespmem:$0x1D000] =	vst v63  }
0x3b: {  	_ =	swait.ge [sflag:s15], $0x2780  }
0x3c: {  	[sflag:s15] =	ssyncset.done $0x0  }
0x3d: {  	s30 =	simm.s32 $0x0;
	[sflag:s15] =	ssyncadd.s32 $0xFFFFD880  }
0x3e: {  	[tilespmem:s14], [sflag:$0x1] =	stream.indirect.gather [hbm4b:s4+s17], $0x80, s30, s17, $0xb8;
	[tilespmem:$0x1D000] =	vst v63  }
0x3f: {  	_ =	swait.ge [sflag:s18], $0x4000  }
0x40: {  	[sflag:s18] =	ssyncset.done $0x0  }
0x41: {  	s31 =	simm.s32 $0x2800;
	[sflag:s18] =	ssyncadd.s32 $0xFFFFC000  }
0x42: {  	[spmem:s2] =	stream.indirect.scatter.add.f32 [tilespmem:s14], [sflag:$0x2], $0x80, s31, s17, $0xb8;
	[tilespmem:$0x1D000] =	vst v63  }
0x43: {  	_ =	swait.ge [sflag:s15], $0x4000  }
0x44: {  	s21 =	simm.s32 $0x200;
	s22 =	simm.s32 $0x400;
	[sflag:s15] =	ssyncset.done $0x0  }
.LBB2_4:
0x45: {  	s23 =	sshra.s32 s21, $0x2  }
0x46: {  	[sflag:s15] =	ssyncadd.s32 $0xFFFFC000;
	s21 =	smov.u32 s22;
	s24 =	sadd.s32 $0x200, s22  }
0x47: {  	[tilespmem:s14], [sflag:$0x1] =	stream.indirect.gather [hbm4b:s4+s17], $0x80, s23, s17, $0xb8;
	[tilespmem:$0x1D000] =	vst v63  }
0x48: {  	p0 =	sne.s32 s22, $0x9C00;
	_ =	swait.ge [sflag:s18], $0x4000  }
.Ltmp1:
0x49: {  	[sflag:s18] =	ssyncset.done $0x0;
	(pc) =	sbr.rel @p0 .LBB2_4-.Ltmp1, $4  }
0x4a: {  	s22 =	sadd.s32 $0x2800, s23;
	[sflag:s18] =	ssyncadd.s32 $0xFFFFC000  }
0x4b: {  	[spmem:s2] =	stream.indirect.scatter.add.f32 [tilespmem:s14], [sflag:$0x2], $0x80, s22, s17, $0xb8;
	[tilespmem:$0x1D000] =	vst v63  }
0x4c: {  	_ =	swait.ge [sflag:s15], $0x4000  }
0x4d: {  	s22 =	smov.u32 s24;
	[sflag:s15] =	ssyncset.done $0x0  }
0x4e: {  	s21 =	sshra.s32 s21, $0x2;
	[sflag:s15] =	ssyncadd.s32 $0xFFFFC000  }
0x4f: {  	[tilespmem:s14], [sflag:$0x1] =	stream.indirect.gather [hbm4b:s4+s17], $0x80, s21, s17, $0xb8;
	[tilespmem:$0x1D000] =	vst v63  }
0x50: {  	_ =	swait.ge [sflag:s18], $0x4000  }
0x51: {  	[sflag:s18] =	ssyncset.done $0x0  }
0x52: {  	s21 =	sadd.s32 $0x2800, s21;
	[sflag:s18] =	ssyncadd.s32 $0xFFFFC000  }
0x53: {  	[spmem:s2] =	stream.indirect.scatter.add.f32 [tilespmem:s14], [sflag:$0x2], $0x80, s21, s17, $0xb8;
	[tilespmem:$0x1D000] =	vst v63  }
0x54: {  	_ =	swait.ge [sflag:s15], $0x4000  }
0x55: {  	s3 =	sadd.s32 $0x1, s3;
	[sflag:s15] =	ssyncset.done $0x0  }
0x56: {  	p0 =	sne.s32 s3, s13;
	[sflag:s15] =	ssyncadd.s32 $0xFFFFC000  }
.Ltmp2:
0x57: {  	[bflag:$0x0] =	sbarrier.arrive $0xFFFF;
	(pc) =	sbr.rel @p0 .LBB2_1-.Ltmp2, $4  }
0x58: {  	[hbm:s12], [sflag:s19] =	dma.local [spmem:s20], $0x2800  }
0x59: {  	_ =	swait.ge [sflag:s15], $0x2800  }
0x5a: {  	[sflag:s15] =	ssyncset.done $0x0  }
0x5b: {  	[sflag:s15] =	ssyncadd.s32 $0xFFFFD800  }
0x5c: {  	_ =	sfence.sel $0x180000  }
0x5d: {  	[bflag:$0x0] =	sbarrier.arrive $0xFFFF  }
0x5e: {  	p0 =	sne.s32 s0, $0x0;
	_ =	strace $0x9000004D  }
0x5f: {  	s0 =	sadd.s32 @!p0 $0x100000, s1;
	[bflag:$0x2] =	sbarrier.arrive $0xFFFF  }
0x60: {  	[sflag:s0] =	ssyncadd.tile.s32 @!p0 $0x1;
	_ =	shalt  }
.Lfunc_end2:
_tile_overlayer_lowered:
.L_overlay_start_2:
0x61: {  	(tag) =	ssettag $0x2  }
0x62: {  	s0 =	rddreg [dreg:$0x0];
	s2 =	stileid.u32  }
0x63: {  	s1 =	rddreg [dreg:$0x1];
	p0 =	sne.s32 s2, $0x0  }
0x64: {  	s3 =	rddreg [dreg:$0x2];
	[bflag:$0x3] =	sbarrier.arrive $0xFFFF;
	s2 =	simm.s32 @!p0 $0x1C02  }
0x65: {  	[timem:s3], [sflag:s2] =	dma.local @!p0 [hbm:s0], s1  }
0x66: {  	s0 =	simm.s32 @!p0 $0x2  }
0x67: {  	_ =	swait.ge @!p0 [sflag:s0], s1  }
0x68: {  	s1 =	ssub.s32 @!p0 $0x0, s1;
	[sflag:s0] =	ssyncset.done @!p0 $0x0  }
0x69: {  	[sflag:s0] =	ssyncadd.s32 @!p0 s1  }
0x6a: {  	[bflag:$0x3] =	sbarrier.arrive $0xFFFF  }
0x6b: {  	_ =	shalt  }

// kernel: kernel.8.cloned.1.call-start
scs
__scs_entry_jumppad:
0x0: {  	(pc) =	sbr.rel $0x88, $3  }
0x1: {  	(tag) =	ssettag $0x0;
	lr =	simm.s32 $0x1  }
0x2: {  	[smem:$0x3F9B] =	sst lr;
	_ =	strace $0xD0000000  }
0x3: {  	_ = 	snop  }
0x4: {  	_ = 	snop  }
0x5: {  	_ = 	snop  }
0x6: {  	_ = 	snop  }
0x7: {  	_ = 	snop  }
__scs_overlays_trampoline_lowered:
0x8: {  	[smem:$0x3FAA] =	sst s0  }
0x9: {  	[smem:$0x3FAB] =	sst s1  }
0xa: {  	[smem:$0x3FAC] =	sst s2  }
0xb: {  	[smem:$0x3FAD] =	sst s3  }
0xc: {  	[smem:$0x3FAE] =	sst s4  }
0xd: {  	[smem:$0x3FAF] =	sst s5  }
0xe: {  	[smem:$0x3FB0] =	sst s6  }
0xf: {  	[smem:$0x3FB1] =	sst s7  }
0x10: {  	[smem:$0x3FB2] =	sst s8  }
0x11: {  	[smem:$0x3FB3] =	sst s9;
	s0 =	simm.s32 @!p0 $0x0  }
0x12: {  	s1 =	sld [smem:$0x3F99];
	s0 =	simm.s32 @p0 $0x1  }
0x13: {  	[smem:$0x3FB4] =	sst s0;
	s0 =	simm.s32 @!p1 $0x0  }
0x14: {  	s2 =	sld [smem:$0x3F98];
	s0 =	simm.s32 @p1 $0x1  }
0x15: {  	[smem:$0x3FB5] =	sst s0;
	s0 =	simm.s32 @!p2 $0x0  }
0x16: {  	s3 =	sld [smem:$0x3FDB];
	s0 =	simm.s32 @p2 $0x1  }
0x17: {  	s4 =	simm.s32 $0x1BF5;
	[smem:$0x3FB7] =	sst s0  }
0x18: {  	s0 =	sld [smem:$0x3F9A];
	_ =	swait.ge [sflag:s4], $0x0  }
0x19: {  	s7 =	sld [smem:$0x3F9B]  }
0x1a: {  	s8 =	sadd.s32 $0xFFFFE003, lr  }
0x1b: {  	s9 =	sadd.s32 $0xFFFFFEF7, lr;
	s5 =	simm.s32 $0xFFFFFFFF;
	p2 =	slt.u32 s8, $0xFFFFF086  }
0x1c: {  	p1 =	slt.u32 s9, $0xF7A;
	s5 =	simm.s32 @!p2 $0x0  }
0x1d: {  	s5 =	simm.s32 @p1 $0x1;
	p0 =	seq.s32 s7, s2  }
0x1e: {  	s7 =	smul.u32 @!p0 $0xF7A, s2;
	p2 =	seq.s32 @!p0 s5, $0x0  }
0x1f: {  	s9 =	smul.u32 $0xF7A, s1;
	s8 =	simm.s32 @!p0 $0x1BF5;
	p2 =	por !p2, p0  }
0x20: {  	[sflag:s8] =	ssyncset.s32 @!p0 $0xFFFFF086;
	s6 =	sadd.s32 @!p0 s3, s7;
	s7 =	simm.s32 @!p0 $0x108  }
0x21: {  	s3 =	sadd.s32 s3, s9;
	s6 =	sadd.s32 @!p0 $0x88, s6;
	s7 =	simm.s32 @p2 $0x1082  }
0x22: {  	[simem:s7], [sflag:s8] =	dma.local @!p0 [hbm:s6], $0xF7A  }
0x23: {  	s9 =	sor.u32 $0xD0000000, s2;
	s6 =	simm.s32 $0x108;
	_ =	swait.ge @!p0 [sflag:s8], $0x0  }
0x24: {  	s3 =	sadd.s32 $0x88, s3;
	s6 =	simm.s32 @!p1 $0x1082;
	[sflag:s4] =	ssyncset.s32 $0xFFFFF086  }
0x25: {  	[simem:s6], [sflag:s4] =	dma.local [hbm:s3], $0xF7A  }
0x26: {  	[smem:$0x3F9B] =	sst s1;
	(tag) =	ssettag s2;
	_ =	strace s9  }
0x27: {  	s1 =	sld [smem:$0x3FAB]  }
0x28: {  	s2 =	sld [smem:$0x3FAC]  }
0x29: {  	s4 =	sld [smem:$0x3FAE]  }
0x2a: {  	p0 =	seq.s32 s5, $0x0;
	s5 =	sld [smem:$0x3FAF]  }
0x2b: {  	s6 =	sld [smem:$0x3FB0]  }
0x2c: {  	s7 =	sld [smem:$0x3FB1]  }
0x2d: {  	s3 =	simm.s32 $0x108;
	s8 =	sld [smem:$0x3FB2]  }
0x2e: {  	s3 =	simm.s32 @!p0 $0x1082;
	s9 =	sld [smem:$0x3FB3]  }
0x2f: {  	lr =	sadd.s32 s0, s3;
	s0 =	sld [smem:$0x3FAA]  }
0x30: {  	s3 =	sld [smem:$0x3FAD]  }
0x31: {  	[smem:$0x3FB6] =	sst s10  }
0x32: {  	s10 =	sld [smem:$0x3FB4];
	_ =	sdelay $0x3  }
0x33: {  	p0 =	seq.s32 s10, $0x1;
	s10 =	sld [smem:$0x3FB6];
	_ =	sdelay $0x3  }
0x34: {  	[smem:$0x3FB6] =	sst s10  }
0x35: {  	s10 =	sld [smem:$0x3FB5];
	_ =	sdelay $0x3  }
0x36: {  	p1 =	seq.s32 s10, $0x1;
	s10 =	sld [smem:$0x3FB6];
	_ =	sdelay $0x3  }
0x37: {  	[smem:$0x3FB6] =	sst s10  }
0x38: {  	s10 =	sld [smem:$0x3FB7]  }
0x39: {  	_ = 	snop;
	(pc) =	sbr.ind lr, $3  }
0x3a: {  	_ = 	snop  }
0x3b: {  	_ = 	snop  }
0x3c: {  	p2 =	seq.s32 s10, $0x1;
	s10 =	sld [smem:$0x3FB6]  }
0x3d: {  	_ =	shalt  }
0x3e: {  	_ =	shalt  }
0x3f: {  	_ =	shalt  }
0x40: {  	_ =	shalt  }
0x41: {  	_ =	shalt  }
0x42: {  	_ =	shalt  }
0x43: {  	_ =	shalt  }
0x44: {  	_ =	shalt  }
0x45: {  	_ =	shalt  }
0x46: {  	_ =	shalt  }
0x47: {  	_ =	shalt  }
0x48: {  	_ =	shalt  }
0x49: {  	_ =	shalt  }
0x4a: {  	_ =	shalt  }
0x4b: {  	_ =	shalt  }
0x4c: {  	_ =	shalt  }
0x4d: {  	_ =	shalt  }
0x4e: {  	_ =	shalt  }
0x4f: {  	_ =	shalt  }
0x50: {  	_ =	shalt  }
0x51: {  	_ =	shalt  }
0x52: {  	_ =	shalt  }
0x53: {  	_ =	shalt  }
0x54: {  	_ =	shalt  }
0x55: {  	_ =	shalt  }
0x56: {  	_ =	shalt  }
0x57: {  	_ =	shalt  }
0x58: {  	_ =	shalt  }
0x59: {  	_ =	shalt  }
0x5a: {  	_ =	shalt  }
0x5b: {  	_ =	shalt  }
0x5c: {  	_ =	shalt  }
0x5d: {  	_ =	shalt  }
0x5e: {  	_ =	shalt  }
0x5f: {  	_ =	shalt  }
0x60: {  	_ =	shalt  }
0x61: {  	_ =	shalt  }
0x62: {  	_ =	shalt  }
0x63: {  	_ =	shalt  }
0x64: {  	_ =	shalt  }
0x65: {  	_ =	shalt  }
0x66: {  	_ =	shalt  }
0x67: {  	_ =	shalt  }
0x68: {  	_ =	shalt  }
0x69: {  	_ =	shalt  }
0x6a: {  	_ =	shalt  }
0x6b: {  	_ =	shalt  }
0x6c: {  	_ =	shalt  }
0x6d: {  	_ =	shalt  }
0x6e: {  	_ =	shalt  }
0x6f: {  	_ =	shalt  }
0x70: {  	_ =	shalt  }
0x71: {  	_ =	shalt  }
0x72: {  	_ =	shalt  }
0x73: {  	_ =	shalt  }
0x74: {  	_ =	shalt  }
0x75: {  	_ =	shalt  }
0x76: {  	_ =	shalt  }
0x77: {  	_ =	shalt  }
0x78: {  	_ =	shalt  }
0x79: {  	_ =	shalt  }
0x7a: {  	_ =	shalt  }
0x7b: {  	_ =	shalt  }
0x7c: {  	_ =	shalt  }
0x7d: {  	_ =	shalt  }
0x7e: {  	_ =	shalt  }
0x7f: {  	_ =	shalt  }
0x80: {  	_ =	shalt  }
0x81: {  	_ =	shalt  }
0x82: {  	_ =	shalt  }
0x83: {  	_ =	shalt  }
0x84: {  	_ =	shalt  }
0x85: {  	_ =	shalt  }
0x86: {  	_ =	shalt  }
0x87: {  	_ =	shalt  }
.Lfunc_end0:
.L_simem_size_0:
called_computation_lowered:
.L_overlay_start_0:
0x88: {  	s2 =	sld [smem:$0x3FD9]  }
0x89: {  	s3 =	sld [smem:$0x3FFE];
	_ =	sdelay $0x1  }
0x8a: {  	s1 =	srdreg.scid  }
0x8b: {  	s0 =	sand.u32 $0x1, s1  }
0x8c: {  	s17 =	sshll.u32 s0, $0xA;
	s2 =	sadd.s32 s3, s2  }
0x8d: {  	s2 =	sadd.s32 s2, s17  }
0x8e: {  	[smem:$0x3FC2] =	sst s2  }
0x8f: {  	_ = 	snop  }
0x90: {  	s2 =	sld [smem:$0x3FD0];
	(tm) =	ssettm $0x1  }
0x91: {  	s18 =	sld [smem:$0x3FFB];
	_ =	sdelay $0x3  }
0x92: {  	_ =	strace s18  }
0x93: {  	s3 =	sld [smem:$0x3FFC];
	_ =	sdelay $0x3  }
0x94: {  	_ =	strace s3  }
0x95: {  	s3 =	sld [smem:$0x3FFD];
	_ =	sdelay $0x3  }
0x96: {  	_ =	strace s3  }
0x97: {  	_ =	strace $0x8FFFFFFF  }
0x98: {  	s19 =	sld [smem:$0x3FDB];
	_ =	sdelay $0x1  }
0x99: {  	s4 =	simm.s32 $_scs_section_size  }
0x9a: {  	s5 =	simm.s32 $_size__tile_overlayer_lowered;
	s6 =	simm.s32 $_tile_overlayer_lowered  }
0x9b: {  	s22 =	simm.s32 $0x1BFF;
	s21 =	sshll.u32 s6, $0x1;
	s3 =	sadd.s32 s4, s19  }
0x9c: {  	s7 =	simm.s32 $0x0;
	s20 =	sshll.u32 s5, $0x1;
	s5 =	sadd.s32 s21, s3  }
0x9d: {  	[timem:s7], [sflag:s22] =	dma.local [hbm:s5], s20  }
0x9e: {  	_ =	swait.ge [sflag:s22], s20  }
0x9f: {  	s4 =	ssub.s32 $0x0, s20;
	[sflag:s22] =	ssyncset.done $0x0  }
0xa0: {  	[sflag:s22] =	ssyncadd.s32 s4;
	_ =	sdelay $0x1  }
0xa1: {  	s23 =	simm.s32 $0x1B8B  }
0xa2: {  	_ =	swait.ge [sflag:s23], $0x1  }
0xa3: {  	[sflag:s23] =	ssyncset.done $0x0  }
0xa4: {  	s25 =	simm.s32 $0x1B8E;
	s24 =	sld [smem:$0x3FFE];
	[sflag:s23] =	ssyncadd.s32 $0xFFFFFFFF  }
0xa5: {  	s26 =	simm.s32 $execute0_lowered;
	[smem:$0x3FD2] =	sst s25  }
0xa6: {  	s5 =	sshll.u32 s26, $0x1;
	_ =	strace $0x80000046;
	[dreg:$0x1] =	wrdreg $0xFFFFFFFF  }
0xa7: {  	s28 =	simm.s32 $_size_execute0_lowered;
	s3 =	sadd.s32 s3, s5;
	[dreg:$0x0] =	wrdreg $0x0  }
0xa8: {  	s5 =	sshll.u32 s28, $0x1;
	[dreg:$0x2] =	wrdreg s3  }
0xa9: {  	[dreg:$0x3] =	wrdreg s5  }
0xaa: {  	[dreg:$0x4] =	wrdreg $0xC0  }
0xab: {  	_ =	task [dreg:s7], $0x5FFFF  }
0xac: {  	[dreg:$0x1] =	wrdreg $0xFFFFFFFF  }
0xad: {  	[dreg:$0x0] =	wrdreg $0x60  }
0xae: {  	[dreg:$0x2] =	wrdreg s2  }
0xaf: {  	[dreg:$0x3] =	wrdreg s24  }
0xb0: {  	[dreg:$0x4] =	wrdreg $0xA8000  }
0xb1: {  	[dreg:$0x5] =	wrdreg $0x9  }
0xb2: {  	_ =	task.clear_ibuf [dreg:s7], $0x6FFFF;
	_ =	strace $0x90000046  }
0xb3: {  	s29 =	simm.s32 $0x9;
	_ =	strace $0x80000048  }
0xb4: {  	_ =	swait.ge [sflag:s29], $0x1  }
0xb5: {  	[sflag:s29] =	ssyncadd.s32 $0xFFFFFFFF  }
0xb6: {  	_ =	strace $0x90000048  }
0xb7: {  	_ =	sfence  }
0xb8: {  	s30 =	sld [smem:$0x0];
	_ =	sdelay $0x2  }
0xb9: {  	s31 =	sshll.u32 s1, $0xD;
	s1 =	sshrl.u32 s1, $0x2  }
0xba: {  	s3 =	sand.u32 $0x4000, s31;
	s1 =	sadd.s32 s1, s30  }
0xbb: {  	s0 =	sor.u32 s3, s0;
	s1 =	sshll.u32 s1, $0x11  }
0xbc: {  	s0 =	sor.u32 s1, s0  }
0xbd: {  	s0 =	sadd.s32 $0x8F2B, s0  }
0xbe: {  	[sflag:s0] =	ssyncadd.remote.s32 $0x1  }
0xbf: {  	_ =	sfence.sel $0xFFFF  }
0xc0: {  	[dreg:$0x0] =	wrdreg $0xFFFFFFFF;
	(pc) =	sbr.abs _section_cstart, $3  }
0xc1: {  	[dreg:$0x1] =	wrdreg $0xFFFFFFFF  }
0xc2: {  	_ =	task.clear_ibuf [dreg:s7], $0x2FFFF;
	_ =	strace $0x9FFFFFFF  }
0xc3: {  	(tm) =	ssettm $0x7FFFFFFF  }
tec
execute0_lowered:
.L_overlay_start_1:
0x0: {  	(tag) =	ssettag $0x1  }
0x1: {  	s9 =	rddreg [dreg:$0x0];
	s1 =	srdreg.scid  }
0x2: {  	s0 =	stileid.u32;
	s4 =	rddreg [dreg:$0x1]  }
0x3: {  	s2 =	rddreg [dreg:$0x2];
	s3 =	simm.s32 $0x0;
	s13 =	simm.s32 $0x1  }
0x4: {  	s14 =	simm.s32 $0x80;
	s5 =	sand.u32 $0x1, s1;
	s1 =	rddreg [dreg:$0x3]  }
0x5: {  	s15 =	simm.s32 $0x2800;
	s6 =	smul.u32 $0x2800, s0;
	[smem:$0x7FF] =	sst s3  }
0x6: {  	s26 =	smul.u32 $0x50000, s0;
	s28 =	sshll.u32 s0, $0x1;
	s16 =	sshll.u32 s0, $0x6  }
0x7: {  	s7 =	smul.u32 $0x28000, s5;
	_ =	strace $0x80000047;
	s29 =	ssub.s32 $0x2, s5  }
0x8: {  	s5 =	sor.u32 s5, s28;
	s16 =	sor.u32 $0x1C01, s16;
	s30 =	sshrl.u32 s26, $0x2  }
0x9: {  	s31 =	sshrl.u32 s29, $0x1;
	s11 =	smul.u32 $0x500, s5;
	s6 =	sadd.s32 s6, s7  }
0xa: {  	s12 =	ssub.s32 s29, s31;
	s10 =	sadd.s32 s6, s4;
	s4 =	sadd.s32 s30, s2  }
0xb: {  	s9 =	sadd.s32 s9, s11;
	s11 =	smax.u32 s12, $0x1;
	s12 =	simm.s32 $0x6800  }
0xc: {  	s5 =	sadd.s32 $0x4000, s4;
	s6 =	sadd.s32 $0x8000, s4;
	s7 =	sadd.s32 $0xC000, s4  }
0xd: {  	v0 =	vimm.f32 $0.0e+00;
	v1 =	vimm.f32 $1.000000000e+00;
	s8 =	sadd.s32 $0x10000, s4;
	s10 =	sadd.s32 $0x3200, s10;
	s17 =	sshrl.u32 s4, $0x3  }
.LBB2_1:
0xe: {  	s18 =	simm.s32 $0x0;
	s19 =	simm.s32 $0x200  }
.LBB2_2:
0xf: {  	p0 =	sne.s32 s19, $0xFE00;
	[tilespmem:s18+$0x6870] =	vst v0  }
0x10: {  	[tilespmem:s18+$0x6800] =	vst v0  }
0x11: {  	[tilespmem:s18+$0x6810] =	vst v0  }
.Ltmp0:
0x12: {  	[tilespmem:s18+$0x6820] =	vst v0;
	(pc) =	sbr.rel @p0 .LBB2_2-.Ltmp0, $4  }
0x13: {  	[tilespmem:s18+$0x6830] =	vst v0  }
0x14: {  	[tilespmem:s18+$0x6840] =	vst v0  }
0x15: {  	[tilespmem:s18+$0x6850] =	vst v0  }
0x16: {  	[tilespmem:s18+$0x6860] =	vst v0;
	s18 =	sshra.s32 s19, $0x2;
	s19 =	sadd.s32 $0x200, s19  }
0x17: {  	[tilespmem:s18+$0x6870] =	vst v0  }
0x18: {  	[tilespmem:s18+$0x6800] =	vst v0  }
0x19: {  	[tilespmem:s18+$0x6810] =	vst v0  }
0x1a: {  	[tilespmem:s18+$0x6820] =	vst v0  }
0x1b: {  	[tilespmem:s18+$0x6830] =	vst v0  }
0x1c: {  	[tilespmem:s18+$0x6840] =	vst v0  }
0x1d: {  	[tilespmem:s18+$0x6850] =	vst v0  }
0x1e: {  	[tilespmem:s18+$0x6860] =	vst v0;
	s18 =	simm.s32 $0x0;
	s19 =	simm.s32 $0x200  }
.LBB2_4:
0x1f: {  	p0 =	sne.s32 s19, $0xFE00;
	[tilespmem:s18+$0x2870] =	vst v1  }
0x20: {  	[tilespmem:s18+$0x2800] =	vst v1  }
0x21: {  	[tilespmem:s18+$0x2810] =	vst v1  }
.Ltmp1:
0x22: {  	[tilespmem:s18+$0x2820] =	vst v1;
	(pc) =	sbr.rel @p0 .LBB2_4-.Ltmp1, $4  }
0x23: {  	[tilespmem:s18+$0x2830] =	vst v1  }
0x24: {  	[tilespmem:s18+$0x2840] =	vst v1  }
0x25: {  	[tilespmem:s18+$0x2850] =	vst v1  }
0x26: {  	[tilespmem:s18+$0x2860] =	vst v1;
	s18 =	sshra.s32 s19, $0x2;
	s19 =	sadd.s32 $0x200, s19  }
0x27: {  	[tilespmem:s18+$0x2870] =	vst v1  }
0x28: {  	[tilespmem:s18+$0x2800] =	vst v1  }
0x29: {  	[tilespmem:s18+$0x2810] =	vst v1  }
0x2a: {  	[tilespmem:s18+$0x2820] =	vst v1  }
0x2b: {  	[tilespmem:s18+$0x2830] =	vst v1  }
0x2c: {  	[tilespmem:s18+$0x2840] =	vst v1  }
0x2d: {  	[tilespmem:s18+$0x2850] =	vst v1  }
0x2e: {  	[tilespmem:s18+$0x2860] =	vst v1  }
0x2f: {  	[spmem:s4] =	stream.linear.scatter [tilespmem:s12], [sflag:$0x1], $0x4000, $0x38;
	[tilespmem:$0x1E800] =	vst v63  }
0x30: {  	_ =	swait.ge [sflag:s13], $0x4000  }
0x31: {  	[sflag:s13] =	ssyncset.done $0x0  }
0x32: {  	[sflag:s13] =	ssyncadd.s32 $0xFFFFC000  }
0x33: {  	[spmem:s5] =	stream.linear.scatter [tilespmem:s12], [sflag:$0x1], $0x4000, $0x38;
	[tilespmem:$0x1E800] =	vst v63  }
0x34: {  	_ =	swait.ge [sflag:s13], $0x4000  }
0x35: {  	[sflag:s13] =	ssyncset.done $0x0  }
0x36: {  	[sflag:s13] =	ssyncadd.s32 $0xFFFFC000  }
0x37: {  	[spmem:s6] =	stream.linear.scatter [tilespmem:s12], [sflag:$0x1], $0x4000, $0x38;
	[tilespmem:$0x1E800] =	vst v63  }
0x38: {  	_ =	swait.ge [sflag:s13], $0x4000  }
0x39: {  	[sflag:s13] =	ssyncset.done $0x0  }
0x3a: {  	[sflag:s13] =	ssyncadd.s32 $0xFFFFC000  }
0x3b: {  	[spmem:s7] =	stream.linear.scatter [tilespmem:s12], [sflag:$0x1], $0x4000, $0x38;
	[tilespmem:$0x1E800] =	vst v63  }
0x3c: {  	_ =	swait.ge [sflag:s13], $0x4000  }
0x3d: {  	[sflag:s13] =	ssyncset.done $0x0  }
0x3e: {  	[sflag:s13] =	ssyncadd.s32 $0xFFFFC000  }
0x3f: {  	[spmem:s8] =	stream.linear.scatter [tilespmem:s12], [sflag:$0x1], $0x4000, $0x38;
	[tilespmem:$0x1E800] =	vst v63  }
0x40: {  	_ =	swait.ge [sflag:s13], $0x4000  }
0x41: {  	[sflag:s13] =	ssyncset.done $0x0  }
0x42: {  	[sflag:s13] =	ssyncadd.s32 $0xFFFFC000  }
0x43: {  	s30 =	simm.s32 $0x0;
	[bflag:$0x0] =	sbarrier.arrive $0xFFFF  }
0x44: {  	[tilespmem:s30], [sflag:$0x1] =	stream.linear.gather [hbm4b:s9+s30], $0x2780, $0x38;
	[tilespmem:$0x1E800] =	vst v63  }
0x45: {  	_ =	swait.ge [sflag:s13], $0x2780  }
0x46: {  	[sflag:s13] =	ssyncset.done $0x0  }
0x47: {  	s31 =	simm.s32 $0x0;
	[sflag:s13] =	ssyncadd.s32 $0xFFFFD880  }
0x48: {  	[spmem:s2] =	stream.indirect.scatter.add.f32 [tilespmem:s15], [sflag:$0x1], $0x80, s31, s14, $0xb8;
	[tilespmem:$0x1E800] =	vst v63  }
0x49: {  	_ =	swait.ge [sflag:s13], $0x4000  }
0x4a: {  	s18 =	simm.s32 $0x200;
	[sflag:s13] =	ssyncset.done $0x0  }
.LBB2_6:
0x4b: {  	s19 =	sshra.s32 s18, $0x2;
	[sflag:s13] =	ssyncadd.s32 $0xFFFFC000;
	p0 =	sne.s32 s18, $0x9C00  }
0x4c: {  	[spmem:s2] =	stream.indirect.scatter.add.f32 [tilespmem:s15], [sflag:$0x1], $0x80, s19, s14, $0xb8;
	[tilespmem:$0x1E800] =	vst v63  }
.Ltmp2:
0x4d: {  	_ = 	snop;
	(pc) =	sbr.rel @p0 .LBB2_6-.Ltmp2, $4  }
0x4e: {  	_ = 	snop  }
0x4f: {  	s18 =	sadd.s32 $0x200, s18  }
0x50: {  	_ =	swait.ge [sflag:s13], $0x4000  }
0x51: {  	[sflag:s13] =	ssyncset.done $0x0  }
0x52: {  	s3 =	sadd.s32 $0x1, s3  }
0x53: {  	[sflag:s13] =	ssyncadd.s32 $0xFFFFC000;
	p0 =	sne.s32 s3, s11  }
.Ltmp3:
0x54: {  	[bflag:$0x0] =	sbarrier.arrive $0xFFFF;
	(pc) =	sbr.rel @p0 .LBB2_1-.Ltmp3, $4  }
0x55: {  	[hbm:s10], [sflag:s16] =	dma.local [spmem:s17], $0x2800  }
0x56: {  	_ =	swait.ge [sflag:s13], $0x2800  }
0x57: {  	[sflag:s13] =	ssyncset.done $0x0  }
0x58: {  	[sflag:s13] =	ssyncadd.s32 $0xFFFFD800  }
0x59: {  	_ =	sfence.sel $0x180000  }
0x5a: {  	[bflag:$0x0] =	sbarrier.arrive $0xFFFF  }
0x5b: {  	p0 =	sne.s32 s0, $0x0;
	_ =	strace $0x90000047  }
0x5c: {  	s0 =	sadd.s32 @!p0 $0x100000, s1;
	[bflag:$0x2] =	sbarrier.arrive $0xFFFF  }
0x5d: {  	[sflag:s0] =	ssyncadd.tile.s32 @!p0 $0x1;
	_ =	shalt  }
.Lfunc_end2:
_tile_overlayer_lowered:
.L_overlay_start_2:
0x5e: {  	(tag) =	ssettag $0x2  }
0x5f: {  	s0 =	rddreg [dreg:$0x0];
	s2 =	stileid.u32  }
0x60: {  	s1 =	rddreg [dreg:$0x1];
	p0 =	sne.s32 s2, $0x0  }
0x61: {  	s3 =	rddreg [dreg:$0x2];
	[bflag:$0x3] =	sbarrier.arrive $0xFFFF;
	s2 =	simm.s32 @!p0 $0x1C01  }
0x62: {  	[timem:s3], [sflag:s2] =	dma.local @!p0 [hbm:s0], s1  }
0x63: {  	s0 =	simm.s32 @!p0 $0x1  }
0x64: {  	_ =	swait.ge @!p0 [sflag:s0], s1  }
0x65: {  	s1 =	ssub.s32 @!p0 $0x0, s1;
	[sflag:s0] =	ssyncset.done @!p0 $0x0  }
0x66: {  	[sflag:s0] =	ssyncadd.s32 @!p0 s1  }
0x67: {  	[bflag:$0x3] =	sbarrier.arrive $0xFFFF  }
0x68: {  	_ =	shalt  }

</sc_bundles>
